<compile_context>
chip_gen: v7x
topology: tpu7x:2x2x1
jax: 0.10.2.dev20260603
libtpu: 0.0.44.dev20260713+nightly
codegen_flags: <defaults>
</compile_context>

<pallas_src>
import functools

import jax
import jax.numpy as jnp
from jax.experimental import pallas as pl
from jax.experimental.pallas import tpu as pltpu

_ROWS = 8192
_COLS = 128
_BLOCK_ROWS = 512


def _tail_body(flag_ref, a0, b0, w0, r0, a1, b1, w1, r1, m, out_ref):
    v0 = a0[...] + w0[...] * (b0[...] - a0[...])
    v0 = jnp.where(flag_ref[0] > 0, r0[...], v0)
    v1 = a1[...] + w1[...] * (b1[...] - a1[...])
    v1 = jnp.where(flag_ref[1] > 0, r1[...], v1)
    diff = jnp.where(m[...] > 0, v0 - v1, 0.0)
    part = jnp.reshape(jnp.sum(diff * diff), (1, 1))

    @pl.when(pl.program_id(0) == 0)
    def _():
        out_ref[...] = jnp.zeros_like(out_ref)

    out_ref[...] += part


def _interp_operands(sorted_key, base, count, max_len, i):
    n = sorted_key.shape[0]
    cf = (count - 1).astype(jnp.float32)
    step = cf / (max_len - 1).astype(jnp.float32)
    pos = i.astype(jnp.float32) * step
    pos = jnp.where(i == max_len - 1, cf, pos)
    k = jnp.clip(jnp.floor(pos).astype(jnp.int32) + 1, 1, count - 1)
    w = pos - (k - 1).astype(jnp.float32)

    def val(idx):
        idx = jnp.clip(base + idx, 0, n - 1)
        bits = jnp.take(sorted_key, idx, mode="clip") & 0x3FFFFFFF
        return jax.lax.bitcast_convert_type(bits, jnp.float32)

    return val(k - 1), val(k), w


def kernel(y_pred, s, y_gt, pct_a, pct_b):
    n = y_pred.shape[0]
    bits = jax.lax.bitcast_convert_type(y_pred, jnp.int32)
    key = bits | (s << 30)
    sorted_key = jnp.sort(key)
    count1 = jnp.sum(s, dtype=jnp.int32)
    count0 = n - count1
    max_len = jnp.maximum(count0, count1)

    n_pad = _ROWS * _COLS
    i = jnp.arange(n_pad, dtype=jnp.int32)
    a0, b0, w0 = _interp_operands(sorted_key, 0, count0, max_len, i)
    a1, b1, w1 = _interp_operands(sorted_key, count0, count1, max_len, i)
    vals_ext = jax.lax.bitcast_convert_type(
        jnp.pad(sorted_key, (0, n_pad), mode="edge") & 0x3FFFFFFF,
        jnp.float32)
    r0 = vals_ext[:n_pad]
    r1 = jax.lax.dynamic_slice(vals_ext, (count0,), (n_pad,))
    m = (i < max_len).astype(jnp.float32)
    flags = jnp.stack([
        (count0 == max_len).astype(jnp.float32),
        (count1 == max_len).astype(jnp.float32),
    ])

    shp = (_ROWS, _COLS)
    ops = [x.reshape(shp) for x in (a0, b0, w0, r0, a1, b1, w1, r1, m)]

    grid = _ROWS // _BLOCK_ROWS
    blk = pl.BlockSpec((_BLOCK_ROWS, _COLS), lambda g: (g, 0))
    out = pl.pallas_call(
        _tail_body,
        grid=(grid,),
        in_specs=[pl.BlockSpec(memory_space=pltpu.SMEM)] + [blk] * 9,
        out_specs=pl.BlockSpec((1, 1), lambda g: (0, 0)),
        out_shape=jax.ShapeDtypeStruct((1, 1), jnp.float32),
    )(flags, *ops)

    reg_loss = out[0, 0]
    z = jnp.zeros((1,), dtype=jnp.float32)
    return (reg_loss, z, z, z)

# --- scband reference (transcript-rebuilt; emitter-appended) ---
"""Pipeline reference for scband-diff-quadr-reg-25933012533652 (READ-ONLY COPY).

The authoritative reference and input builder live on the scoring server;
editing this copy changes nothing except your own understanding.
"""

import jax, jax.numpy as jnp
import numpy as np


def _interp_linear_align_corners(x, out_len):
    n = x.shape[0]
    if n == out_len:
        return x
    pos = jnp.linspace(0.0, float(n - 1), out_len)
    xp = jnp.arange(n, dtype=jnp.float32)
    return jnp.interp(pos, xp, x)


def _diff_quadr(y0, y1):
    len_y0 = y0.shape[0]
    len_y1 = y1.shape[0]
    max_len = max(len_y0, len_y1)
    sorted_y0 = jnp.sort(y0)
    sorted_y1 = jnp.sort(y1)
    if len_y0 < max_len:
        sorted_y0 = _interp_linear_align_corners(sorted_y0, max_len)
    elif len_y1 < max_len:
        sorted_y1 = _interp_linear_align_corners(sorted_y1, max_len)
    diff = sorted_y0 - sorted_y1
    return (diff ** 2).sum()


def _interp_masked(sorted_vals, count, max_len, i):
    cf = (count - 1).astype(jnp.float32)
    step = cf / (max_len - 1).astype(jnp.float32)
    pos = i.astype(jnp.float32) * step
    pos = jnp.where(i == max_len - 1, cf, pos)
    k = jnp.clip(jnp.floor(pos).astype(jnp.int32) + 1, 1, count - 1)
    xkm1 = (k - 1).astype(jnp.float32)
    dx = k.astype(jnp.float32) - xkm1
    fp_km1 = jnp.take(sorted_vals, k - 1)
    fp_k = jnp.take(sorted_vals, k)
    interp_val = fp_km1 + ((pos - xkm1) / dx) * (fp_k - fp_km1)
    raw = jnp.take(sorted_vals, i)
    return jnp.where(count == max_len, raw, interp_val)


def _diff_quadr_masked(sorted_y0, count0, sorted_y1, count1):
    i = jnp.arange(sorted_y0.shape[0], dtype=jnp.int32)
    max_len = jnp.maximum(count0, count1)
    v0 = _interp_masked(sorted_y0, count0, max_len, i)
    v1 = _interp_masked(sorted_y1, count1, max_len, i)
    diff = jnp.where(i < max_len, v0 - v1, 0.0)
    return (diff ** 2).sum()


def setup_inputs(seed: int = 0):
    key = jax.random.key(seed)
    k1, k2, k3 = jax.random.split(key, 3)
    N = 1000000
    y_pred = jax.random.uniform(k1, (N,), dtype=jnp.float32)
    s = jax.random.randint(k2, (N,), 0, 2, dtype=jnp.int32)
    y_gt = jax.random.uniform(k3, (N,), dtype=jnp.float32)
    return {"y_pred": y_pred, "s": s, "y_gt": y_gt, "pct_a": 0, "pct_b": 1}


def reference(y_pred, s, y_gt, pct_a, pct_b):
    # local_reg=False path: regularize over the whole distribution; pct_a/pct_b unused.
    mask0 = s == 0
    mask1 = s == 1
    count0 = mask0.sum(dtype=jnp.int32)
    count1 = mask1.sum(dtype=jnp.int32)
    sorted_y0 = jnp.sort(jnp.where(mask0, y_pred, jnp.inf))
    sorted_y1 = jnp.sort(jnp.where(mask1, y_pred, jnp.inf))
    reg_loss = _diff_quadr_masked(sorted_y0, count0, sorted_y1, count1)
    z = jnp.zeros((1,), dtype=jnp.float32)
    return (reg_loss, z, z, z)

if __name__ == "__main__":
    import jax
    _d = setup_inputs()
    print(jax.jit(kernel)(*tuple(_d.values())))

</pallas_src>

<mosaic_0001>
module attributes {stable_mosaic.version = 14 : i64} {
  func.func @_tail_body(%arg0: i32, %arg1: memref<2xf32, #tpu.memory_space<smem>>, %arg2: memref<512x128xf32, #tpu.memory_space<vmem>>, %arg3: memref<512x128xf32, #tpu.memory_space<vmem>>, %arg4: memref<512x128xf32, #tpu.memory_space<vmem>>, %arg5: memref<512x128xf32, #tpu.memory_space<vmem>>, %arg6: memref<512x128xf32, #tpu.memory_space<vmem>>, %arg7: memref<512x128xf32, #tpu.memory_space<vmem>>, %arg8: memref<512x128xf32, #tpu.memory_space<vmem>>, %arg9: memref<512x128xf32, #tpu.memory_space<vmem>>, %arg10: memref<512x128xf32, #tpu.memory_space<vmem>>, %arg11: memref<1x1xf32, #tpu.memory_space<vmem>>) attributes {dimension_semantics = [#tpu.dimension_semantics<arbitrary>], iteration_bounds = array<i64: 16>, scalar_prefetch = 0 : i64, scratch_operands = 0 : i64, tpu.core_type = #tpu.core_type<tc>, window_params = [{transform_indices = @transform_0, window_bounds = array<i64: 2>}, {transform_indices = @transform_1, window_bounds = array<i64: 512, 128>}, {transform_indices = @transform_2, window_bounds = array<i64: 512, 128>}, {transform_indices = @transform_3, window_bounds = array<i64: 512, 128>}, {transform_indices = @transform_4, window_bounds = array<i64: 512, 128>}, {transform_indices = @transform_5, window_bounds = array<i64: 512, 128>}, {transform_indices = @transform_6, window_bounds = array<i64: 512, 128>}, {transform_indices = @transform_7, window_bounds = array<i64: 512, 128>}, {transform_indices = @transform_8, window_bounds = array<i64: 512, 128>}, {transform_indices = @transform_9, window_bounds = array<i64: 512, 128>}, {pipeline_mode = #tpu.pipeline_mode<synchronous>, transform_indices = @transform_10, window_bounds = array<i64: 1, 1>}]} {
    %get3A = arith.constant 0 : index
    %get3A_0 = arith.constant 0 : index
    %get3A_1 = vector.load %arg2[%get3A, %get3A_0] : memref<512x128xf32, #tpu.memory_space<vmem>>, vector<512x128xf32>
    %get3A_2 = arith.constant 0 : index
    %get3A_3 = arith.constant 0 : index
    %get3A_4 = vector.load %arg4[%get3A_2, %get3A_3] : memref<512x128xf32, #tpu.memory_space<vmem>>, vector<512x128xf32>
    %get3A_5 = arith.constant 0 : index
    %get3A_6 = arith.constant 0 : index
    %get3A_7 = vector.load %arg3[%get3A_5, %get3A_6] : memref<512x128xf32, #tpu.memory_space<vmem>>, vector<512x128xf32>
    %get3A_8 = arith.constant 0 : index
    %get3A_9 = arith.constant 0 : index
    %get3A_10 = vector.load %arg2[%get3A_8, %get3A_9] : memref<512x128xf32, #tpu.memory_space<vmem>>, vector<512x128xf32>
    %sub3A = arith.subf %get3A_7, %get3A_10 : vector<512x128xf32>
    %mul3A = arith.mulf %get3A_4, %sub3A : vector<512x128xf32>
    %add3A = arith.addf %get3A_1, %mul3A : vector<512x128xf32>
    %get3A_11 = arith.constant 0 : index
    %get3A_12 = memref.load %arg1[%get3A_11] : memref<2xf32, #tpu.memory_space<smem>>
    %gt3A = arith.constant 0.000000e+00 : f32
    %gt3A_13 = arith.cmpf ogt, %get3A_12, %gt3A : f32
    %get3A_14 = arith.constant 0 : index
    %get3A_15 = arith.constant 0 : index
    %get3A_16 = vector.load %arg5[%get3A_14, %get3A_15] : memref<512x128xf32, #tpu.memory_space<vmem>>, vector<512x128xf32>
    %select_n3A = arith.select %gt3A_13, %get3A_16, %add3A : vector<512x128xf32>
    %get3A_17 = arith.constant 0 : index
    %get3A_18 = arith.constant 0 : index
    %get3A_19 = vector.load %arg6[%get3A_17, %get3A_18] : memref<512x128xf32, #tpu.memory_space<vmem>>, vector<512x128xf32>
    %get3A_20 = arith.constant 0 : index
    %get3A_21 = arith.constant 0 : index
    %get3A_22 = vector.load %arg8[%get3A_20, %get3A_21] : memref<512x128xf32, #tpu.memory_space<vmem>>, vector<512x128xf32>
    %get3A_23 = arith.constant 0 : index
    %get3A_24 = arith.constant 0 : index
    %get3A_25 = vector.load %arg7[%get3A_23, %get3A_24] : memref<512x128xf32, #tpu.memory_space<vmem>>, vector<512x128xf32>
    %get3A_26 = arith.constant 0 : index
    %get3A_27 = arith.constant 0 : index
    %get3A_28 = vector.load %arg6[%get3A_26, %get3A_27] : memref<512x128xf32, #tpu.memory_space<vmem>>, vector<512x128xf32>
    %sub3A_29 = arith.subf %get3A_25, %get3A_28 : vector<512x128xf32>
    %mul3A_30 = arith.mulf %get3A_22, %sub3A_29 : vector<512x128xf32>
    %add3A_31 = arith.addf %get3A_19, %mul3A_30 : vector<512x128xf32>
    %get3A_32 = arith.constant 1 : index
    %get3A_33 = memref.load %arg1[%get3A_32] : memref<2xf32, #tpu.memory_space<smem>>
    %gt3A_34 = arith.constant 0.000000e+00 : f32
    %gt3A_35 = arith.cmpf ogt, %get3A_33, %gt3A_34 : f32
    %get3A_36 = arith.constant 0 : index
    %get3A_37 = arith.constant 0 : index
    %get3A_38 = vector.load %arg9[%get3A_36, %get3A_37] : memref<512x128xf32, #tpu.memory_space<vmem>>, vector<512x128xf32>
    %select_n3A_39 = arith.select %gt3A_35, %get3A_38, %add3A_31 : vector<512x128xf32>
    %get3A_40 = arith.constant 0 : index
    %get3A_41 = arith.constant 0 : index
    %get3A_42 = vector.load %arg10[%get3A_40, %get3A_41] : memref<512x128xf32, #tpu.memory_space<vmem>>, vector<512x128xf32>
    %gt3A_43 = arith.constant 0.000000e+00 : f32
    %gt3A_44 = vector.broadcast %gt3A_43 : f32 to vector<512x128xf32>
    %gt3A_45 = arith.cmpf ogt, %get3A_42, %gt3A_44 : vector<512x128xf32>
    %sub3A_46 = arith.subf %select_n3A, %select_n3A_39 : vector<512x128xf32>
    %jit3A = arith.constant 0.000000e+00 : f32
    %broadcast_in_dim3A = vector.broadcast %jit3A : f32 to vector<512x128xf32>
    %select_n3A_47 = arith.select %gt3A_45, %sub3A_46, %broadcast_in_dim3A : vector<512x128xi1>, vector<512x128xf32>
    %mul3A_48 = arith.mulf %select_n3A_47, %select_n3A_47 : vector<512x128xf32>
    %reduce_sum3A = vector.shape_cast %mul3A_48 : vector<512x128xf32> to vector<1x512x128xf32>
    %reduce_sum3A_49 = arith.constant dense<0.000000e+00> : vector<1xf32>
    %reduce_sum3A_50 = vector.multi_reduction <add>, %reduce_sum3A, %reduce_sum3A_49 [1, 2] : vector<1x512x128xf32> to vector<1xf32>
    %reduce_sum3A_51 = vector.shape_cast %reduce_sum3A_50 : vector<1xf32> to vector<1x1x1xf32>
    %reduce_sum3A_52 = vector.extract %reduce_sum3A_51[0, 0, 0] : f32 from vector<1x1x1xf32>
    %reshape3A = vector.broadcast %reduce_sum3A_52 : f32 to vector<1x1xf32>
    %eq3A = arith.constant 0 : i32
    %eq3A_53 = arith.cmpi eq, %arg0, %eq3A : i32
    %convert_element_type3A = arith.extui %eq3A_53 : i1 to i32
    %cond3A = arith.constant 0 : i32
    %cond3A_54 = arith.cmpi ne, %convert_element_type3A, %cond3A : i32
    scf.if %cond3A_54 {
      %broadcast_in_dim3A_61 = arith.constant 0.000000e+00 : f32
      %broadcast_in_dim3A_62 = vector.broadcast %broadcast_in_dim3A_61 : f32 to vector<1x1xf32>
      %swap3A_63 = arith.constant 0 : index
      %swap3A_64 = arith.constant 0 : index
      %swap3A_65 = vector.load %arg11[%swap3A_63, %swap3A_64] : memref<1x1xf32, #tpu.memory_space<vmem>>, vector<1x1xf32>
      tpu.vector_store %arg11[%swap3A_63, %swap3A_64], %broadcast_in_dim3A_62 {strides = array<i32>} : memref<1x1xf32, #tpu.memory_space<vmem>>, vector<1x1xf32>,
    } else {
    }
    %get3A_55 = arith.constant 0 : index
    %get3A_56 = arith.constant 0 : index
    %get3A_57 = vector.load %arg11[%get3A_55, %get3A_56] : memref<1x1xf32, #tpu.memory_space<vmem>>, vector<1x1xf32>
    %add3A_58 = arith.addf %get3A_57, %reshape3A : vector<1x1xf32>
    %swap3A = arith.constant 0 : index
    %swap3A_59 = arith.constant 0 : index
    %swap3A_60 = vector.load %arg11[%swap3A, %swap3A_59] : memref<1x1xf32, #tpu.memory_space<vmem>>, vector<1x1xf32>
    tpu.vector_store %arg11[%swap3A, %swap3A_59], %add3A_58 {strides = array<i32>} : memref<1x1xf32, #tpu.memory_space<vmem>>, vector<1x1xf32>,
    return
  }
  func.func @transform_0(%arg0: i32) -> i32 {
    %c0_i32 = arith.constant 0 : i32
    %c0_i32_0 = arith.constant 0 : i32
    return %c0_i32 : i32
  }
  func.func @transform_1(%arg0: i32) -> (i32, i32) {
    %c0_i32 = arith.constant 0 : i32
    %c0_i32_0 = arith.constant 0 : i32
    return %arg0, %c0_i32 : i32, i32
  }
  func.func @transform_2(%arg0: i32) -> (i32, i32) {
    %c0_i32 = arith.constant 0 : i32
    %c0_i32_0 = arith.constant 0 : i32
    return %arg0, %c0_i32 : i32, i32
  }
  func.func @transform_3(%arg0: i32) -> (i32, i32) {
    %c0_i32 = arith.constant 0 : i32
    %c0_i32_0 = arith.constant 0 : i32
    return %arg0, %c0_i32 : i32, i32
  }
  func.func @transform_4(%arg0: i32) -> (i32, i32) {
    %c0_i32 = arith.constant 0 : i32
    %c0_i32_0 = arith.constant 0 : i32
    return %arg0, %c0_i32 : i32, i32
  }
  func.func @transform_5(%arg0: i32) -> (i32, i32) {
    %c0_i32 = arith.constant 0 : i32
    %c0_i32_0 = arith.constant 0 : i32
    return %arg0, %c0_i32 : i32, i32
  }
  func.func @transform_6(%arg0: i32) -> (i32, i32) {
    %c0_i32 = arith.constant 0 : i32
    %c0_i32_0 = arith.constant 0 : i32
    return %arg0, %c0_i32 : i32, i32
  }
  func.func @transform_7(%arg0: i32) -> (i32, i32) {
    %c0_i32 = arith.constant 0 : i32
    %c0_i32_0 = arith.constant 0 : i32
    return %arg0, %c0_i32 : i32, i32
  }
  func.func @transform_8(%arg0: i32) -> (i32, i32) {
    %c0_i32 = arith.constant 0 : i32
    %c0_i32_0 = arith.constant 0 : i32
    return %arg0, %c0_i32 : i32, i32
  }
  func.func @transform_9(%arg0: i32) -> (i32, i32) {
    %c0_i32 = arith.constant 0 : i32
    %c0_i32_0 = arith.constant 0 : i32
    return %arg0, %c0_i32 : i32, i32
  }
  func.func @transform_10(%arg0: i32) -> (i32, i32) {
    %c0_i32 = arith.constant 0 : i32
    %c0_i32_0 = arith.constant 0 : i32
    %c0_i32_1 = arith.constant 0 : i32
    return %c0_i32, %c0_i32_0 : i32, i32
  }
}

</mosaic_0001>

<sc_bundles>
// kernel: gather_offload_async_start.1
scs
__scs_entry_jumppad:
0x0: {  	(pc) =	sbr.rel $0x88, $3  }
0x1: {  	(tag) =	ssettag $0x0;
	lr =	simm.s32 $0x1  }
0x2: {  	[smem:$0x3F9F] =	sst lr;
	_ =	strace $0xD0000000  }
0x3: {  	_ = 	snop  }
0x4: {  	_ = 	snop  }
0x5: {  	_ = 	snop  }
0x6: {  	_ = 	snop  }
0x7: {  	_ = 	snop  }
__scs_overlays_trampoline_lowered:
0x8: {  	[smem:$0x3FAE] =	sst s0  }
0x9: {  	[smem:$0x3FAF] =	sst s1  }
0xa: {  	[smem:$0x3FB0] =	sst s2  }
0xb: {  	[smem:$0x3FB1] =	sst s3  }
0xc: {  	[smem:$0x3FB2] =	sst s4  }
0xd: {  	[smem:$0x3FB3] =	sst s5  }
0xe: {  	[smem:$0x3FB4] =	sst s6  }
0xf: {  	[smem:$0x3FB5] =	sst s7  }
0x10: {  	[smem:$0x3FB6] =	sst s8  }
0x11: {  	[smem:$0x3FB7] =	sst s9;
	s0 =	simm.s32 @!p0 $0x0  }
0x12: {  	s1 =	sld [smem:$0x3F9D];
	s0 =	simm.s32 @p0 $0x1  }
0x13: {  	[smem:$0x3FB8] =	sst s0;
	s0 =	simm.s32 @!p1 $0x0  }
0x14: {  	s2 =	sld [smem:$0x3F9C];
	s0 =	simm.s32 @p1 $0x1  }
0x15: {  	[smem:$0x3FB9] =	sst s0;
	s0 =	simm.s32 @!p2 $0x0  }
0x16: {  	s3 =	sld [smem:$0x3FDB];
	s0 =	simm.s32 @p2 $0x1  }
0x17: {  	s4 =	simm.s32 $0x1BF5;
	[smem:$0x3FBB] =	sst s0  }
0x18: {  	s0 =	sld [smem:$0x3F9E];
	_ =	swait.ge [sflag:s4], $0x0  }
0x19: {  	s7 =	sld [smem:$0x3F9F]  }
0x1a: {  	s8 =	sadd.s32 $0xFFFFE003, lr  }
0x1b: {  	s9 =	sadd.s32 $0xFFFFFEF7, lr;
	s5 =	simm.s32 $0xFFFFFFFF;
	p2 =	slt.u32 s8, $0xFFFFF086  }
0x1c: {  	p1 =	slt.u32 s9, $0xF7A;
	s5 =	simm.s32 @!p2 $0x0  }
0x1d: {  	s5 =	simm.s32 @p1 $0x1;
	p0 =	seq.s32 s7, s2  }
0x1e: {  	s7 =	smul.u32 @!p0 $0xF7A, s2;
	p2 =	seq.s32 @!p0 s5, $0x0  }
0x1f: {  	s9 =	smul.u32 $0xF7A, s1;
	s8 =	simm.s32 @!p0 $0x1BF5;
	p2 =	por !p2, p0  }
0x20: {  	[sflag:s8] =	ssyncset.s32 @!p0 $0xFFFFF086;
	s6 =	sadd.s32 @!p0 s3, s7;
	s7 =	simm.s32 @!p0 $0x108  }
0x21: {  	s3 =	sadd.s32 s3, s9;
	s6 =	sadd.s32 @!p0 $0x88, s6;
	s7 =	simm.s32 @p2 $0x1082  }
0x22: {  	[simem:s7], [sflag:s8] =	dma.local @!p0 [hbm:s6], $0xF7A  }
0x23: {  	s9 =	sor.u32 $0xD0000000, s2;
	s6 =	simm.s32 $0x108;
	_ =	swait.ge @!p0 [sflag:s8], $0x0  }
0x24: {  	s3 =	sadd.s32 $0x88, s3;
	s6 =	simm.s32 @!p1 $0x1082;
	[sflag:s4] =	ssyncset.s32 $0xFFFFF086  }
0x25: {  	[simem:s6], [sflag:s4] =	dma.local [hbm:s3], $0xF7A  }
0x26: {  	[smem:$0x3F9F] =	sst s1;
	(tag) =	ssettag s2;
	_ =	strace s9  }
0x27: {  	s1 =	sld [smem:$0x3FAF]  }
0x28: {  	s2 =	sld [smem:$0x3FB0]  }
0x29: {  	s4 =	sld [smem:$0x3FB2]  }
0x2a: {  	p0 =	seq.s32 s5, $0x0;
	s5 =	sld [smem:$0x3FB3]  }
0x2b: {  	s6 =	sld [smem:$0x3FB4]  }
0x2c: {  	s7 =	sld [smem:$0x3FB5]  }
0x2d: {  	s3 =	simm.s32 $0x108;
	s8 =	sld [smem:$0x3FB6]  }
0x2e: {  	s3 =	simm.s32 @!p0 $0x1082;
	s9 =	sld [smem:$0x3FB7]  }
0x2f: {  	lr =	sadd.s32 s0, s3;
	s0 =	sld [smem:$0x3FAE]  }
0x30: {  	s3 =	sld [smem:$0x3FB1]  }
0x31: {  	[smem:$0x3FBA] =	sst s10  }
0x32: {  	s10 =	sld [smem:$0x3FB8];
	_ =	sdelay $0x3  }
0x33: {  	p0 =	seq.s32 s10, $0x1;
	s10 =	sld [smem:$0x3FBA];
	_ =	sdelay $0x3  }
0x34: {  	[smem:$0x3FBA] =	sst s10  }
0x35: {  	s10 =	sld [smem:$0x3FB9];
	_ =	sdelay $0x3  }
0x36: {  	p1 =	seq.s32 s10, $0x1;
	s10 =	sld [smem:$0x3FBA];
	_ =	sdelay $0x3  }
0x37: {  	[smem:$0x3FBA] =	sst s10  }
0x38: {  	s10 =	sld [smem:$0x3FBB]  }
0x39: {  	_ = 	snop;
	(pc) =	sbr.ind lr, $3  }
0x3a: {  	_ = 	snop  }
0x3b: {  	_ = 	snop  }
0x3c: {  	p2 =	seq.s32 s10, $0x1;
	s10 =	sld [smem:$0x3FBA]  }
0x3d: {  	_ =	shalt  }
0x3e: {  	_ =	shalt  }
0x3f: {  	_ =	shalt  }
0x40: {  	_ =	shalt  }
0x41: {  	_ =	shalt  }
0x42: {  	_ =	shalt  }
0x43: {  	_ =	shalt  }
0x44: {  	_ =	shalt  }
0x45: {  	_ =	shalt  }
0x46: {  	_ =	shalt  }
0x47: {  	_ =	shalt  }
0x48: {  	_ =	shalt  }
0x49: {  	_ =	shalt  }
0x4a: {  	_ =	shalt  }
0x4b: {  	_ =	shalt  }
0x4c: {  	_ =	shalt  }
0x4d: {  	_ =	shalt  }
0x4e: {  	_ =	shalt  }
0x4f: {  	_ =	shalt  }
0x50: {  	_ =	shalt  }
0x51: {  	_ =	shalt  }
0x52: {  	_ =	shalt  }
0x53: {  	_ =	shalt  }
0x54: {  	_ =	shalt  }
0x55: {  	_ =	shalt  }
0x56: {  	_ =	shalt  }
0x57: {  	_ =	shalt  }
0x58: {  	_ =	shalt  }
0x59: {  	_ =	shalt  }
0x5a: {  	_ =	shalt  }
0x5b: {  	_ =	shalt  }
0x5c: {  	_ =	shalt  }
0x5d: {  	_ =	shalt  }
0x5e: {  	_ =	shalt  }
0x5f: {  	_ =	shalt  }
0x60: {  	_ =	shalt  }
0x61: {  	_ =	shalt  }
0x62: {  	_ =	shalt  }
0x63: {  	_ =	shalt  }
0x64: {  	_ =	shalt  }
0x65: {  	_ =	shalt  }
0x66: {  	_ =	shalt  }
0x67: {  	_ =	shalt  }
0x68: {  	_ =	shalt  }
0x69: {  	_ =	shalt  }
0x6a: {  	_ =	shalt  }
0x6b: {  	_ =	shalt  }
0x6c: {  	_ =	shalt  }
0x6d: {  	_ =	shalt  }
0x6e: {  	_ =	shalt  }
0x6f: {  	_ =	shalt  }
0x70: {  	_ =	shalt  }
0x71: {  	_ =	shalt  }
0x72: {  	_ =	shalt  }
0x73: {  	_ =	shalt  }
0x74: {  	_ =	shalt  }
0x75: {  	_ =	shalt  }
0x76: {  	_ =	shalt  }
0x77: {  	_ =	shalt  }
0x78: {  	_ =	shalt  }
0x79: {  	_ =	shalt  }
0x7a: {  	_ =	shalt  }
0x7b: {  	_ =	shalt  }
0x7c: {  	_ =	shalt  }
0x7d: {  	_ =	shalt  }
0x7e: {  	_ =	shalt  }
0x7f: {  	_ =	shalt  }
0x80: {  	_ =	shalt  }
0x81: {  	_ =	shalt  }
0x82: {  	_ =	shalt  }
0x83: {  	_ =	shalt  }
0x84: {  	_ =	shalt  }
0x85: {  	_ =	shalt  }
0x86: {  	_ =	shalt  }
0x87: {  	_ =	shalt  }
.Lfunc_end0:
.L_simem_size_0:
called_computation.1_lowered:
.L_overlay_start_0:
0x88: {  	s2 =	sld [smem:$0x3FD9]  }
0x89: {  	s3 =	sld [smem:$0x3FFE];
	_ =	sdelay $0x1  }
0x8a: {  	s1 =	srdreg.scid  }
0x8b: {  	s0 =	sand.u32 $0x1, s1  }
0x8c: {  	s17 =	sshll.u32 s0, $0xA;
	s2 =	sadd.s32 s3, s2  }
0x8d: {  	s2 =	sadd.s32 s2, s17  }
0x8e: {  	[smem:$0x3FC6] =	sst s2  }
0x8f: {  	_ = 	snop  }
0x90: {  	(tm) =	ssettm $0x1  }
0x91: {  	s18 =	sld [smem:$0x3FFB];
	_ =	sdelay $0x3  }
0x92: {  	_ =	strace s18  }
0x93: {  	s2 =	sld [smem:$0x3FFC];
	_ =	sdelay $0x3  }
0x94: {  	_ =	strace s2  }
0x95: {  	s2 =	sld [smem:$0x3FFD];
	_ =	sdelay $0x3  }
0x96: {  	_ =	strace s2  }
0x97: {  	_ =	strace $0x8FFFFFFF  }
0x98: {  	s19 =	sld [smem:$0x3FDB];
	_ =	sdelay $0x1  }
0x99: {  	s20 =	simm.s32 $_scs_section_size  }
0x9a: {  	s4 =	simm.s32 $_size__tile_overlayer_lowered;
	s5 =	simm.s32 $_tile_overlayer_lowered  }
0x9b: {  	s6 =	simm.s32 $0x1BFF;
	s21 =	sshll.u32 s5, $0x1;
	s3 =	sadd.s32 s20, s19  }
0x9c: {  	s22 =	simm.s32 $0x0;
	s4 =	sshll.u32 s4, $0x1;
	s5 =	sadd.s32 s21, s3  }
0x9d: {  	[timem:s22], [sflag:s6] =	dma.local [hbm:s5], s4  }
0x9e: {  	_ =	swait.ge [sflag:s6], s4  }
0x9f: {  	s4 =	ssub.s32 $0x0, s4;
	[sflag:s6] =	ssyncset.done $0x0  }
0xa0: {  	[sflag:s6] =	ssyncadd.s32 s4;
	_ =	sdelay $0x1  }
0xa1: {  	s23 =	simm.s32 $0x1B8B  }
0xa2: {  	_ =	swait.ge [sflag:s23], $0x1  }
0xa3: {  	[sflag:s23] =	ssyncset.done $0x0  }
0xa4: {  	[sflag:s23] =	ssyncadd.s32 $0xFFFFFFFF  }
0xa5: {  	s4 =	sld [smem:$0x0]  }
0xa6: {  	s5 =	sand.u32 $0xFFFFFFFE, s1  }
0xa7: {  	p0 =	sne.s32 s1, s5  }
0xa8: {  	s5 =	sshll.u32 @p0 s5, $0xE  }
0xa9: {  	s5 =	sadd.s32 @p0 $0x11B8D, s5;
	s6 =	sshll.u32 @p0 s4, $0x11  }
0xaa: {  	s5 =	sor.u32 @p0 s6, s5  }
0xab: {  	[sflag:s5] =	ssyncadd.remote.s32 @p0 $0x1;
	_ =	sdelay $0x1  }
0xac: {  	s5 =	simm.s32 @p0 $0x1B8D  }
0xad: {  	_ =	swait.eq @p0 [sflag:s5], $0x1  }
0xae: {  	[sflag:s5] =	ssyncadd.s32 @p0 $0xFFFFFFFF  }
0xaf: {  	s6 =	sshll.u32 @!p0 s1, $0xE  }
0xb0: {  	s6 =	sor.u32 @!p0 $0x4000, s6;
	s5 =	simm.s32 @!p0 $0x1B8D  }
0xb1: {  	s4 =	sshll.u32 @!p0 s4, $0x11;
	s6 =	sadd.s32 @!p0 $0x11B8D, s6;
	_ =	swait.eq @!p0 [sflag:s5], $0x1  }
0xb2: {  	s4 =	sor.u32 @!p0 s4, s6;
	[sflag:s5] =	ssyncadd.s32 @!p0 $0xFFFFFFFF  }
0xb3: {  	s25 =	simm.s32 $0x1B8E;
	s24 =	sld [smem:$0x3FFE];
	[sflag:s4] =	ssyncadd.remote.s32 @!p0 $0x1  }
0xb4: {  	s26 =	simm.s32 $execute0_lowered;
	[smem:$0x3FD2] =	sst s25  }
0xb5: {  	s5 =	sshll.u32 s26, $0x1;
	_ =	strace $0x8000004C;
	[dreg:$0x1] =	wrdreg $0xFFFFFFFF  }
0xb6: {  	s28 =	simm.s32 $_size_execute0_lowered;
	s3 =	sadd.s32 s3, s5;
	[dreg:$0x0] =	wrdreg $0x0  }
0xb7: {  	s5 =	sshll.u32 s28, $0x1;
	[dreg:$0x2] =	wrdreg s3  }
0xb8: {  	[dreg:$0x3] =	wrdreg s5  }
0xb9: {  	[dreg:$0x4] =	wrdreg $0xC0  }
0xba: {  	_ =	task [dreg:s22], $0x5FFFF  }
0xbb: {  	[dreg:$0x1] =	wrdreg $0xFFFFFFFF  }
0xbc: {  	[dreg:$0x0] =	wrdreg $0x60  }
0xbd: {  	[dreg:$0x2] =	wrdreg s24  }
0xbe: {  	[dreg:$0x3] =	wrdreg $0x9  }
0xbf: {  	_ =	task.clear_ibuf [dreg:s22], $0x4FFFF;
	_ =	strace $0x9000004C  }
0xc0: {  	s29 =	simm.s32 $0x9;
	_ =	strace $0x8000004E  }
0xc1: {  	_ =	swait.ge [sflag:s29], $0x1  }
0xc2: {  	[sflag:s29] =	ssyncadd.s32 $0xFFFFFFFF  }
0xc3: {  	_ =	strace $0x9000004E  }
0xc4: {  	_ =	sfence  }
0xc5: {  	s30 =	sld [smem:$0x0];
	_ =	sdelay $0x2  }
0xc6: {  	s31 =	sshll.u32 s1, $0xD;
	s1 =	sshrl.u32 s1, $0x2  }
0xc7: {  	s4 =	sand.u32 $0x4000, s31;
	s1 =	sadd.s32 s1, s30  }
0xc8: {  	s0 =	sor.u32 s4, s0;
	s1 =	sshll.u32 s1, $0x11  }
0xc9: {  	s0 =	sor.u32 s1, s0  }
0xca: {  	s0 =	sadd.s32 $0x8F2B, s0  }
0xcb: {  	[sflag:s0] =	ssyncadd.remote.s32 $0x1  }
0xcc: {  	_ =	sfence.sel $0xFFFF  }
0xcd: {  	[dreg:$0x0] =	wrdreg $0xFFFFFFFF;
	(pc) =	sbr.abs _section_cstart, $3  }
0xce: {  	[dreg:$0x1] =	wrdreg $0xFFFFFFFF  }
0xcf: {  	_ =	task.clear_ibuf [dreg:s22], $0x2FFFF;
	_ =	strace $0x9FFFFFFF  }
0xd0: {  	(tm) =	ssettm $0x7FFFFFFF  }
0xd1: {  	_ =	shalt  }
tec
execute0_lowered:
.L_overlay_start_1:
0x0: {  	(tag) =	ssettag $0x1  }
0x1: {  	s0 =	srdreg.scid;
	s5 =	rddreg [dreg:$0x0]  }
0x2: {  	s1 =	stileid.u32;
	s6 =	simm.s32 $0x1;
	s9 =	simm.s32 $0x1  }
0x3: {  	s10 =	simm.s32 $0x3;
	s13 =	simm.s32 $0x0;
	s2 =	sshll.u32 s0, $0xE  }
0x4: {  	s12 =	simm.s32 $0x0;
	s3 =	sshll.u32 s1, $0xF;
	s2 =	sand.u32 $0x4000, s2  }
0x5: {  	s0 =	rddreg [dreg:$0x1];
	_ =	strace $0x8000004D;
	s2 =	sor.u32 s3, s2  }
0x6: {  	s4 =	sadd.s32 $0xA1000, s5;
	[sflag:s6] =	ssyncpa.u1 $0x0;
	s8 =	ssub.s32 $0x100000, s2  }
.Ltmp0:
0x7: {  	s3 =	sadd.s32 $0xE1000, s5;
	s7 =	sand.u32 $0x7C000, s8;
	(pc) =	sbr.rel .LBB2_1-.Ltmp0, $4  }
0x8: {  	s5 =	sadd.s32 $0x11FA00, s5;
	s11 =	smov.u32 s2;
	p0 =	sne.s32 s7, $0x0  }
0x9: {  	s8 =	sshrl.u32 s8, $0x13;
	s7 =	simm.s32 $0x2;
	s9 =	simm.s32 @!p0 $0x0  }
0xa: {  	[sflag:s7] =	ssyncpa.u1 $0x0;
	p0 =	por $0x0, $0x0;
	s8 =	sadd.s32 s9, s8  }
0xb: {  	vm0 =	vmmov $0xffff;
	[sflag:s10] =	ssyncpa.u1 $0x0;
	s10 =	simm.s32 $0x0;
	s9 =	sadd.s32 $0x1, s8  }
.LBB2_4:
0xc: {  	v2 =	vnsel vm1, $0x0, v2  }
0xd: {  	vm1 =	vgt.s32 v0, $0x0;
	v2 =	vmin.u32 v2, $0xF423F  }
0xe: {  	v0 =	vnsel vm1, $0x0, v0  }
0xf: {  	v0 =	vmin.u32 v0, $0xF423F  }
0x10: {  	[tilespmem:s15], [sflag:$0x1] =	stream.indirect_vreg.gather [hbm4b:s3+s10], $0x1, v1, vm0, $0x4038;
	[tilespmem:$0x10000] =	vst v63  }
0x11: {  	(ifvalue) =	ssetifvalue $0x7FFFFFFF  }
0x12: {  	[tilespmem:s16], [sflag:$0x1] =	stream.indirect_vreg.gather [hbm4b:s3+s10], $0x1, v2, vm0, $0x4038;
	[tilespmem:$0x10000] =	vst v63  }
0x13: {  	s29 =	sadd.s32 $0x10, s16;
	(ifvalue) =	ssetifvalue $0x7FFFFFFF  }
0x14: {  	[tilespmem:s29], [sflag:$0x1] =	stream.indirect_vreg.gather [hbm4b:s3+s10], $0x1, v0, vm0, $0x4038;
	[tilespmem:$0x10000] =	vst v63  }
0x15: {  	_ =	swait.ge [sflag:s6], $0x4000  }
0x16: {  	s30 =	sshrl.u32 s13, $0x3;
	[sflag:s6] =	ssyncset.done $0x0  }
0x17: {  	s31 =	sand.u32 $0x7, s13;
	s15 =	sadd.s32 s5, s30;
	[sflag:s6] =	ssyncadd.s32 $0xFFFFC000  }
0x18: {  	[hbm4b:s15+s31] =	stream.linear.scatter [tilespmem:s14], [sflag:$0x3], $0x4000, $0x38;
	[tilespmem:$0x10000] =	vst v63  }
.LBB2_5:
0x19: {  	s15 =	sadd.s32 $0x80000, s11  }
0x1a: {  	p2 =	sgt.s32 s15, $0xFFFFF  }
0x1b: {  	s15 =	smov.u32 @p2 s2;
	p2 =	sne.s32 s12, s9  }
.Ltmp1:
0x1c: {  	p1 =	slt.u32 s12, $0x2;
	(pc) =	sbr.rel @!p2 .LBB2_6-.Ltmp1, $4  }
0x1d: {  	s14 =	simm.s32 @!p1 $0x3  }
0x1e: {  	s16 =	sadd.s32 $0x1, s12;
	_ =	swait.ge @!p1 [sflag:s14], $0x4000  }
0x1f: {  	s13 =	smov.u32 s11;
	p0 =	por !p0, !p0;
	[sflag:s14] =	ssyncset.done @!p1 $0x0  }
0x20: {  	s12 =	smov.u32 s16;
	s11 =	smov.u32 s15;
	[sflag:s14] =	ssyncadd.s32 @!p1 $0xFFFFC000  }
.LBB2_1:
0x21: {  	p1 =	sge.u32 s12, s8  }
0x22: {  	s14 =	sxor.u32 @!p1 $0xFFFFFFFF, s12  }
0x23: {  	s31 =	sadd.s32 $0xFFFFFFFF, s12;
	s15 =	sshrl.u32 @!p1 s11, $0x3;
	s14 =	sshll.u32 @!p1 s14, $0xE  }
0x24: {  	s16 =	sand.u32 @!p1 $0x7, s11;
	s15 =	sadd.s32 @!p1 s4, s15;
	s14 =	sand.u32 @!p1 $0x4000, s14  }
0x25: {  	[tilespmem:s14], [sflag:$0x2] =	stream.linear.gather @!p1 [hbm4b:s15+s16], $0x4000, $0x38;
	[tilespmem:$0x10000] =	vst v63  }
0x26: {  	p1 =	sge.u32 s31, s8  }
.Ltmp2:
0x27: {  	_ = 	snop;
	(pc) =	sbr.rel @p1 .LBB2_5-.Ltmp2, $1  }
0x28: {  	_ =	sdelay $0x3  }
0x29: {  	s14 =	simm.s32 $0x1  }
0x2a: {  	_ =	swait.ge [sflag:s7], $0x4000;
	s14 =	simm.s32 @!p0 $0x0  }
0x2b: {  	[sflag:s7] =	ssyncset.done $0x0;
	s14 =	sshll.u32 s14, $0xE  }
0x2c: {  	[sflag:s7] =	ssyncadd.s32 $0xFFFFC000;
	(ifvalue) =	ssetifvalue $0x7FFFFFFF;
	v0 =	vld.msk [tilespmem:s14+$0x0 ss:$0x1], $0xffff;
	_ =	sdelay $0x4  }
0x2d: {  	s15 =	sadd.s32 $0x10, s14;
	vm1 =	vgt.s32 v0, $0x0  }
0x2e: {  	v2 =	vld.msk [tilespmem:s15+$0x0 ss:$0x1], $0xffff;
	v1 =	vnsel vm1, $0x0, v0  }
0x2f: {  	v1 =	vmin.u32 v1, $0xF423F;
	_ =	sdelay $0x1  }
0x30: {  	s16 =	sshll.u32 s12, $0xE;
	s18 =	simm.s32 $0x20  }
0x31: {  	s16 =	sand.u32 $0x4000, s16;
	s17 =	sadd.s32 $0x10, s15;
	s15 =	sor.u32 $0x8000, s14  }
0x32: {  	s14 =	sor.u32 $0x8000, s16;
	s16 =	sadd.s32 $0x10, s15;
	v0 =	vld.msk [tilespmem:s17+$0x0 ss:$0x1], $0xffff;
	vm1 =	vgt.s32 v2, $0x0;
	(ifvalue) =	ssetifvalue $0x7FFFFFFF  }
.LBB2_3:
0x33: {  	[tilespmem:s15], [sflag:$0x1] =	stream.indirect_vreg.gather [hbm4b:s3+s10], $0x1, v1, vm0, $0x4038;
	[tilespmem:$0x10000] =	vst v63  }
0x34: {  	s18 =	sadd.s32 $0x10, s18  }
0x35: {  	v2 =	vnsel vm1, $0x0, v2;
	p1 =	slt.u32 s18, $0x3FF0  }
.Ltmp3:
0x36: {  	s15 =	smov.u32 s16;
	v1 =	vmin.u32 v2, $0xF423F;
	(pc) =	sbr.rel @p1 .LBB2_3-.Ltmp3, $3  }
0x37: {  	_ =	sdelay $0x1  }
0x38: {  	s17 =	sadd.s32 $0x10, s17  }
0x39: {  	vm1 =	vgt.s32 v0, $0x0;
	s16 =	sadd.s32 $0x10, s16;
	v2 =	vmov v0;
	(ifvalue) =	ssetifvalue $0x7FFFFFFF;
	v0 =	vld.msk [tilespmem:s17+$0x0 ss:$0x1], $0xffff  }
.Ltmp4:
0x3a: {  	_ = 	snop;
	(pc) =	sbr.rel .LBB2_4-.Ltmp4, $1  }
0x3b: {  	_ =	sdelay $0x3  }
.LBB2_6:
0x3c: {  	_ =	sfence.sel $0x180000  }
0x3d: {  	s2 =	simm.s32 $0x2;
	[bflag:$0x0] =	sbarrier.arrive $0xFFFF  }
0x3e: {  	s30 =	simm.s32 $0x3;
	[sflag:s2] =	ssyncpa.u1 $0x1  }
0x3f: {  	s31 =	simm.s32 $0x1;
	[sflag:s30] =	ssyncpa.u1 $0x1  }
0x40: {  	[sflag:s31] =	ssyncpa.u1 $0x1  }
0x41: {  	p0 =	sne.s32 s1, $0x0;
	_ =	strace $0x9000004D  }
0x42: {  	s0 =	sadd.s32 @!p0 $0x100000, s0;
	[bflag:$0x2] =	sbarrier.arrive $0xFFFF  }
0x43: {  	[sflag:s0] =	ssyncadd.tile.s32 @!p0 $0x1;
	_ =	shalt  }
.Lfunc_end2:
_tile_overlayer_lowered:
.L_overlay_start_2:
0x44: {  	(tag) =	ssettag $0x2  }
0x45: {  	s0 =	rddreg [dreg:$0x0];
	s2 =	stileid.u32  }
0x46: {  	s1 =	rddreg [dreg:$0x1];
	p0 =	sne.s32 s2, $0x0  }
0x47: {  	s3 =	rddreg [dreg:$0x2];
	[bflag:$0x3] =	sbarrier.arrive $0xFFFF;
	s2 =	simm.s32 @!p0 $0x1C01  }
0x48: {  	[timem:s3], [sflag:s2] =	dma.local @!p0 [hbm:s0], s1  }
0x49: {  	s0 =	simm.s32 @!p0 $0x1  }
0x4a: {  	_ =	swait.ge @!p0 [sflag:s0], s1  }
0x4b: {  	s1 =	ssub.s32 @!p0 $0x0, s1;
	[sflag:s0] =	ssyncset.done @!p0 $0x0  }
0x4c: {  	[sflag:s0] =	ssyncadd.s32 @!p0 s1  }
0x4d: {  	[bflag:$0x3] =	sbarrier.arrive $0xFFFF  }
0x4e: {  	_ =	shalt  }

// kernel: gather_offload_async_start.2
scs
__scs_entry_jumppad:
0x0: {  	(pc) =	sbr.rel $0x88, $3  }
0x1: {  	(tag) =	ssettag $0x0;
	lr =	simm.s32 $0x1  }
0x2: {  	[smem:$0x3F9F] =	sst lr;
	_ =	strace $0xD0000000  }
0x3: {  	_ = 	snop  }
0x4: {  	_ = 	snop  }
0x5: {  	_ = 	snop  }
0x6: {  	_ = 	snop  }
0x7: {  	_ = 	snop  }
__scs_overlays_trampoline_lowered:
0x8: {  	[smem:$0x3FAE] =	sst s0  }
0x9: {  	[smem:$0x3FAF] =	sst s1  }
0xa: {  	[smem:$0x3FB0] =	sst s2  }
0xb: {  	[smem:$0x3FB1] =	sst s3  }
0xc: {  	[smem:$0x3FB2] =	sst s4  }
0xd: {  	[smem:$0x3FB3] =	sst s5  }
0xe: {  	[smem:$0x3FB4] =	sst s6  }
0xf: {  	[smem:$0x3FB5] =	sst s7  }
0x10: {  	[smem:$0x3FB6] =	sst s8  }
0x11: {  	[smem:$0x3FB7] =	sst s9;
	s0 =	simm.s32 @!p0 $0x0  }
0x12: {  	s1 =	sld [smem:$0x3F9D];
	s0 =	simm.s32 @p0 $0x1  }
0x13: {  	[smem:$0x3FB8] =	sst s0;
	s0 =	simm.s32 @!p1 $0x0  }
0x14: {  	s2 =	sld [smem:$0x3F9C];
	s0 =	simm.s32 @p1 $0x1  }
0x15: {  	[smem:$0x3FB9] =	sst s0;
	s0 =	simm.s32 @!p2 $0x0  }
0x16: {  	s3 =	sld [smem:$0x3FDB];
	s0 =	simm.s32 @p2 $0x1  }
0x17: {  	s4 =	simm.s32 $0x1BF5;
	[smem:$0x3FBB] =	sst s0  }
0x18: {  	s0 =	sld [smem:$0x3F9E];
	_ =	swait.ge [sflag:s4], $0x0  }
0x19: {  	s7 =	sld [smem:$0x3F9F]  }
0x1a: {  	s8 =	sadd.s32 $0xFFFFE003, lr  }
0x1b: {  	s9 =	sadd.s32 $0xFFFFFEF7, lr;
	s5 =	simm.s32 $0xFFFFFFFF;
	p2 =	slt.u32 s8, $0xFFFFF086  }
0x1c: {  	p1 =	slt.u32 s9, $0xF7A;
	s5 =	simm.s32 @!p2 $0x0  }
0x1d: {  	s5 =	simm.s32 @p1 $0x1;
	p0 =	seq.s32 s7, s2  }
0x1e: {  	s7 =	smul.u32 @!p0 $0xF7A, s2;
	p2 =	seq.s32 @!p0 s5, $0x0  }
0x1f: {  	s9 =	smul.u32 $0xF7A, s1;
	s8 =	simm.s32 @!p0 $0x1BF5;
	p2 =	por !p2, p0  }
0x20: {  	[sflag:s8] =	ssyncset.s32 @!p0 $0xFFFFF086;
	s6 =	sadd.s32 @!p0 s3, s7;
	s7 =	simm.s32 @!p0 $0x108  }
0x21: {  	s3 =	sadd.s32 s3, s9;
	s6 =	sadd.s32 @!p0 $0x88, s6;
	s7 =	simm.s32 @p2 $0x1082  }
0x22: {  	[simem:s7], [sflag:s8] =	dma.local @!p0 [hbm:s6], $0xF7A  }
0x23: {  	s9 =	sor.u32 $0xD0000000, s2;
	s6 =	simm.s32 $0x108;
	_ =	swait.ge @!p0 [sflag:s8], $0x0  }
0x24: {  	s3 =	sadd.s32 $0x88, s3;
	s6 =	simm.s32 @!p1 $0x1082;
	[sflag:s4] =	ssyncset.s32 $0xFFFFF086  }
0x25: {  	[simem:s6], [sflag:s4] =	dma.local [hbm:s3], $0xF7A  }
0x26: {  	[smem:$0x3F9F] =	sst s1;
	(tag) =	ssettag s2;
	_ =	strace s9  }
0x27: {  	s1 =	sld [smem:$0x3FAF]  }
0x28: {  	s2 =	sld [smem:$0x3FB0]  }
0x29: {  	s4 =	sld [smem:$0x3FB2]  }
0x2a: {  	p0 =	seq.s32 s5, $0x0;
	s5 =	sld [smem:$0x3FB3]  }
0x2b: {  	s6 =	sld [smem:$0x3FB4]  }
0x2c: {  	s7 =	sld [smem:$0x3FB5]  }
0x2d: {  	s3 =	simm.s32 $0x108;
	s8 =	sld [smem:$0x3FB6]  }
0x2e: {  	s3 =	simm.s32 @!p0 $0x1082;
	s9 =	sld [smem:$0x3FB7]  }
0x2f: {  	lr =	sadd.s32 s0, s3;
	s0 =	sld [smem:$0x3FAE]  }
0x30: {  	s3 =	sld [smem:$0x3FB1]  }
0x31: {  	[smem:$0x3FBA] =	sst s10  }
0x32: {  	s10 =	sld [smem:$0x3FB8];
	_ =	sdelay $0x3  }
0x33: {  	p0 =	seq.s32 s10, $0x1;
	s10 =	sld [smem:$0x3FBA];
	_ =	sdelay $0x3  }
0x34: {  	[smem:$0x3FBA] =	sst s10  }
0x35: {  	s10 =	sld [smem:$0x3FB9];
	_ =	sdelay $0x3  }
0x36: {  	p1 =	seq.s32 s10, $0x1;
	s10 =	sld [smem:$0x3FBA];
	_ =	sdelay $0x3  }
0x37: {  	[smem:$0x3FBA] =	sst s10  }
0x38: {  	s10 =	sld [smem:$0x3FBB]  }
0x39: {  	_ = 	snop;
	(pc) =	sbr.ind lr, $3  }
0x3a: {  	_ = 	snop  }
0x3b: {  	_ = 	snop  }
0x3c: {  	p2 =	seq.s32 s10, $0x1;
	s10 =	sld [smem:$0x3FBA]  }
0x3d: {  	_ =	shalt  }
0x3e: {  	_ =	shalt  }
0x3f: {  	_ =	shalt  }
0x40: {  	_ =	shalt  }
0x41: {  	_ =	shalt  }
0x42: {  	_ =	shalt  }
0x43: {  	_ =	shalt  }
0x44: {  	_ =	shalt  }
0x45: {  	_ =	shalt  }
0x46: {  	_ =	shalt  }
0x47: {  	_ =	shalt  }
0x48: {  	_ =	shalt  }
0x49: {  	_ =	shalt  }
0x4a: {  	_ =	shalt  }
0x4b: {  	_ =	shalt  }
0x4c: {  	_ =	shalt  }
0x4d: {  	_ =	shalt  }
0x4e: {  	_ =	shalt  }
0x4f: {  	_ =	shalt  }
0x50: {  	_ =	shalt  }
0x51: {  	_ =	shalt  }
0x52: {  	_ =	shalt  }
0x53: {  	_ =	shalt  }
0x54: {  	_ =	shalt  }
0x55: {  	_ =	shalt  }
0x56: {  	_ =	shalt  }
0x57: {  	_ =	shalt  }
0x58: {  	_ =	shalt  }
0x59: {  	_ =	shalt  }
0x5a: {  	_ =	shalt  }
0x5b: {  	_ =	shalt  }
0x5c: {  	_ =	shalt  }
0x5d: {  	_ =	shalt  }
0x5e: {  	_ =	shalt  }
0x5f: {  	_ =	shalt  }
0x60: {  	_ =	shalt  }
0x61: {  	_ =	shalt  }
0x62: {  	_ =	shalt  }
0x63: {  	_ =	shalt  }
0x64: {  	_ =	shalt  }
0x65: {  	_ =	shalt  }
0x66: {  	_ =	shalt  }
0x67: {  	_ =	shalt  }
0x68: {  	_ =	shalt  }
0x69: {  	_ =	shalt  }
0x6a: {  	_ =	shalt  }
0x6b: {  	_ =	shalt  }
0x6c: {  	_ =	shalt  }
0x6d: {  	_ =	shalt  }
0x6e: {  	_ =	shalt  }
0x6f: {  	_ =	shalt  }
0x70: {  	_ =	shalt  }
0x71: {  	_ =	shalt  }
0x72: {  	_ =	shalt  }
0x73: {  	_ =	shalt  }
0x74: {  	_ =	shalt  }
0x75: {  	_ =	shalt  }
0x76: {  	_ =	shalt  }
0x77: {  	_ =	shalt  }
0x78: {  	_ =	shalt  }
0x79: {  	_ =	shalt  }
0x7a: {  	_ =	shalt  }
0x7b: {  	_ =	shalt  }
0x7c: {  	_ =	shalt  }
0x7d: {  	_ =	shalt  }
0x7e: {  	_ =	shalt  }
0x7f: {  	_ =	shalt  }
0x80: {  	_ =	shalt  }
0x81: {  	_ =	shalt  }
0x82: {  	_ =	shalt  }
0x83: {  	_ =	shalt  }
0x84: {  	_ =	shalt  }
0x85: {  	_ =	shalt  }
0x86: {  	_ =	shalt  }
0x87: {  	_ =	shalt  }
.Lfunc_end0:
.L_simem_size_0:
called_computation.2_lowered:
.L_overlay_start_0:
0x88: {  	s2 =	sld [smem:$0x3FD9]  }
0x89: {  	s3 =	sld [smem:$0x3FFE];
	_ =	sdelay $0x1  }
0x8a: {  	s1 =	srdreg.scid  }
0x8b: {  	s0 =	sand.u32 $0x1, s1  }
0x8c: {  	s17 =	sshll.u32 s0, $0xA;
	s2 =	sadd.s32 s3, s2  }
0x8d: {  	s2 =	sadd.s32 s2, s17  }
0x8e: {  	[smem:$0x3FC6] =	sst s2  }
0x8f: {  	_ = 	snop  }
0x90: {  	(tm) =	ssettm $0x1  }
0x91: {  	s18 =	sld [smem:$0x3FFB];
	_ =	sdelay $0x3  }
0x92: {  	_ =	strace s18  }
0x93: {  	s2 =	sld [smem:$0x3FFC];
	_ =	sdelay $0x3  }
0x94: {  	_ =	strace s2  }
0x95: {  	s2 =	sld [smem:$0x3FFD];
	_ =	sdelay $0x3  }
0x96: {  	_ =	strace s2  }
0x97: {  	_ =	strace $0x8FFFFFFF  }
0x98: {  	s19 =	sld [smem:$0x3FDB];
	_ =	sdelay $0x1  }
0x99: {  	s20 =	simm.s32 $_scs_section_size  }
0x9a: {  	s4 =	simm.s32 $_size__tile_overlayer_lowered;
	s5 =	simm.s32 $_tile_overlayer_lowered  }
0x9b: {  	s6 =	simm.s32 $0x1BFF;
	s21 =	sshll.u32 s5, $0x1;
	s3 =	sadd.s32 s20, s19  }
0x9c: {  	s22 =	simm.s32 $0x0;
	s4 =	sshll.u32 s4, $0x1;
	s5 =	sadd.s32 s21, s3  }
0x9d: {  	[timem:s22], [sflag:s6] =	dma.local [hbm:s5], s4  }
0x9e: {  	_ =	swait.ge [sflag:s6], s4  }
0x9f: {  	s4 =	ssub.s32 $0x0, s4;
	[sflag:s6] =	ssyncset.done $0x0  }
0xa0: {  	[sflag:s6] =	ssyncadd.s32 s4;
	_ =	sdelay $0x1  }
0xa1: {  	s23 =	simm.s32 $0x1B8B  }
0xa2: {  	_ =	swait.ge [sflag:s23], $0x1  }
0xa3: {  	[sflag:s23] =	ssyncset.done $0x0  }
0xa4: {  	[sflag:s23] =	ssyncadd.s32 $0xFFFFFFFF  }
0xa5: {  	s4 =	sld [smem:$0x0]  }
0xa6: {  	s5 =	sand.u32 $0xFFFFFFFE, s1  }
0xa7: {  	p0 =	sne.s32 s1, s5  }
0xa8: {  	s5 =	sshll.u32 @p0 s5, $0xE  }
0xa9: {  	s5 =	sadd.s32 @p0 $0x11B8D, s5;
	s6 =	sshll.u32 @p0 s4, $0x11  }
0xaa: {  	s5 =	sor.u32 @p0 s6, s5  }
0xab: {  	[sflag:s5] =	ssyncadd.remote.s32 @p0 $0x1;
	_ =	sdelay $0x1  }
0xac: {  	s5 =	simm.s32 @p0 $0x1B8D  }
0xad: {  	_ =	swait.eq @p0 [sflag:s5], $0x1  }
0xae: {  	[sflag:s5] =	ssyncadd.s32 @p0 $0xFFFFFFFF  }
0xaf: {  	s6 =	sshll.u32 @!p0 s1, $0xE  }
0xb0: {  	s6 =	sor.u32 @!p0 $0x4000, s6;
	s5 =	simm.s32 @!p0 $0x1B8D  }
0xb1: {  	s4 =	sshll.u32 @!p0 s4, $0x11;
	s6 =	sadd.s32 @!p0 $0x11B8D, s6;
	_ =	swait.eq @!p0 [sflag:s5], $0x1  }
0xb2: {  	s4 =	sor.u32 @!p0 s4, s6;
	[sflag:s5] =	ssyncadd.s32 @!p0 $0xFFFFFFFF  }
0xb3: {  	s25 =	simm.s32 $0x1B8E;
	s24 =	sld [smem:$0x3FFE];
	[sflag:s4] =	ssyncadd.remote.s32 @!p0 $0x1  }
0xb4: {  	s26 =	simm.s32 $execute0_lowered;
	[smem:$0x3FD2] =	sst s25  }
0xb5: {  	s5 =	sshll.u32 s26, $0x1;
	_ =	strace $0x80000049;
	[dreg:$0x1] =	wrdreg $0xFFFFFFFF  }
0xb6: {  	s28 =	simm.s32 $_size_execute0_lowered;
	s3 =	sadd.s32 s3, s5;
	[dreg:$0x0] =	wrdreg $0x0  }
0xb7: {  	s5 =	sshll.u32 s28, $0x1;
	[dreg:$0x2] =	wrdreg s3  }
0xb8: {  	[dreg:$0x3] =	wrdreg s5  }
0xb9: {  	[dreg:$0x4] =	wrdreg $0xC0  }
0xba: {  	_ =	task [dreg:s22], $0x5FFFF  }
0xbb: {  	[dreg:$0x1] =	wrdreg $0xFFFFFFFF  }
0xbc: {  	[dreg:$0x0] =	wrdreg $0x60  }
0xbd: {  	[dreg:$0x2] =	wrdreg s24  }
0xbe: {  	[dreg:$0x3] =	wrdreg $0xA  }
0xbf: {  	_ =	task.clear_ibuf [dreg:s22], $0x4FFFF;
	_ =	strace $0x90000049  }
0xc0: {  	s29 =	simm.s32 $0xA;
	_ =	strace $0x8000004B  }
0xc1: {  	_ =	swait.ge [sflag:s29], $0x1  }
0xc2: {  	[sflag:s29] =	ssyncadd.s32 $0xFFFFFFFF  }
0xc3: {  	_ =	strace $0x9000004B  }
0xc4: {  	_ =	sfence  }
0xc5: {  	s30 =	sld [smem:$0x0];
	_ =	sdelay $0x2  }
0xc6: {  	s31 =	sshll.u32 s1, $0xD;
	s1 =	sshrl.u32 s1, $0x2  }
0xc7: {  	s4 =	sand.u32 $0x4000, s31;
	s1 =	sadd.s32 s1, s30  }
0xc8: {  	s0 =	sor.u32 s4, s0;
	s1 =	sshll.u32 s1, $0x11  }
0xc9: {  	s0 =	sor.u32 s1, s0  }
0xca: {  	s0 =	sadd.s32 $0x8F2B, s0  }
0xcb: {  	[sflag:s0] =	ssyncadd.remote.s32 $0x1  }
0xcc: {  	_ =	sfence.sel $0xFFFF  }
0xcd: {  	[dreg:$0x0] =	wrdreg $0xFFFFFFFF;
	(pc) =	sbr.abs _section_cstart, $3  }
0xce: {  	[dreg:$0x1] =	wrdreg $0xFFFFFFFF  }
0xcf: {  	_ =	task.clear_ibuf [dreg:s22], $0x2FFFF;
	_ =	strace $0x9FFFFFFF  }
0xd0: {  	(tm) =	ssettm $0x7FFFFFFF  }
0xd1: {  	_ =	shalt  }
tec
execute0_lowered:
.L_overlay_start_1:
0x0: {  	(tag) =	ssettag $0x1  }
0x1: {  	s0 =	srdreg.scid;
	s5 =	rddreg [dreg:$0x0]  }
0x2: {  	s1 =	stileid.u32;
	s6 =	simm.s32 $0x1;
	s9 =	simm.s32 $0x1  }
0x3: {  	s10 =	simm.s32 $0x3;
	s13 =	simm.s32 $0x0;
	s2 =	sshll.u32 s0, $0xE  }
0x4: {  	s12 =	simm.s32 $0x0;
	s3 =	sshll.u32 s1, $0xF;
	s2 =	sand.u32 $0x4000, s2  }
0x5: {  	s0 =	rddreg [dreg:$0x1];
	_ =	strace $0x8000004A;
	s2 =	sor.u32 s3, s2  }
0x6: {  	s4 =	sadd.s32 $0x81000, s5;
	[sflag:s6] =	ssyncpa.u1 $0x0;
	s8 =	ssub.s32 $0x100000, s2  }
.Ltmp0:
0x7: {  	s3 =	sadd.s32 $0xE1000, s5;
	s7 =	sand.u32 $0x7C000, s8;
	(pc) =	sbr.rel .LBB2_1-.Ltmp0, $4  }
0x8: {  	s5 =	sadd.s32 $0xFFA00, s5;
	s11 =	smov.u32 s2;
	p0 =	sne.s32 s7, $0x0  }
0x9: {  	s8 =	sshrl.u32 s8, $0x13;
	s7 =	simm.s32 $0x2;
	s9 =	simm.s32 @!p0 $0x0  }
0xa: {  	[sflag:s7] =	ssyncpa.u1 $0x0;
	p0 =	por $0x0, $0x0;
	s8 =	sadd.s32 s9, s8  }
0xb: {  	vm0 =	vmmov $0xffff;
	[sflag:s10] =	ssyncpa.u1 $0x0;
	s10 =	simm.s32 $0x0;
	s9 =	sadd.s32 $0x1, s8  }
.LBB2_4:
0xc: {  	v2 =	vnsel vm1, $0x0, v2  }
0xd: {  	vm1 =	vgt.s32 v0, $0x0;
	v2 =	vmin.u32 v2, $0xF423F  }
0xe: {  	v0 =	vnsel vm1, $0x0, v0  }
0xf: {  	v0 =	vmin.u32 v0, $0xF423F  }
0x10: {  	[tilespmem:s15], [sflag:$0x1] =	stream.indirect_vreg.gather [hbm4b:s3+s10], $0x1, v1, vm0, $0x4038;
	[tilespmem:$0x10000] =	vst v63  }
0x11: {  	(ifvalue) =	ssetifvalue $0x7FFFFFFF  }
0x12: {  	[tilespmem:s16], [sflag:$0x1] =	stream.indirect_vreg.gather [hbm4b:s3+s10], $0x1, v2, vm0, $0x4038;
	[tilespmem:$0x10000] =	vst v63  }
0x13: {  	s29 =	sadd.s32 $0x10, s16;
	(ifvalue) =	ssetifvalue $0x7FFFFFFF  }
0x14: {  	[tilespmem:s29], [sflag:$0x1] =	stream.indirect_vreg.gather [hbm4b:s3+s10], $0x1, v0, vm0, $0x4038;
	[tilespmem:$0x10000] =	vst v63  }
0x15: {  	_ =	swait.ge [sflag:s6], $0x4000  }
0x16: {  	s30 =	sshrl.u32 s13, $0x3;
	[sflag:s6] =	ssyncset.done $0x0  }
0x17: {  	s31 =	sand.u32 $0x7, s13;
	s15 =	sadd.s32 s5, s30;
	[sflag:s6] =	ssyncadd.s32 $0xFFFFC000  }
0x18: {  	[hbm4b:s15+s31] =	stream.linear.scatter [tilespmem:s14], [sflag:$0x3], $0x4000, $0x38;
	[tilespmem:$0x10000] =	vst v63  }
.LBB2_5:
0x19: {  	s15 =	sadd.s32 $0x80000, s11  }
0x1a: {  	p2 =	sgt.s32 s15, $0xFFFFF  }
0x1b: {  	s15 =	smov.u32 @p2 s2;
	p2 =	sne.s32 s12, s9  }
.Ltmp1:
0x1c: {  	p1 =	slt.u32 s12, $0x2;
	(pc) =	sbr.rel @!p2 .LBB2_6-.Ltmp1, $4  }
0x1d: {  	s14 =	simm.s32 @!p1 $0x3  }
0x1e: {  	s16 =	sadd.s32 $0x1, s12;
	_ =	swait.ge @!p1 [sflag:s14], $0x4000  }
0x1f: {  	s13 =	smov.u32 s11;
	p0 =	por !p0, !p0;
	[sflag:s14] =	ssyncset.done @!p1 $0x0  }
0x20: {  	s12 =	smov.u32 s16;
	s11 =	smov.u32 s15;
	[sflag:s14] =	ssyncadd.s32 @!p1 $0xFFFFC000  }
.LBB2_1:
0x21: {  	p1 =	sge.u32 s12, s8  }
0x22: {  	s14 =	sxor.u32 @!p1 $0xFFFFFFFF, s12  }
0x23: {  	s31 =	sadd.s32 $0xFFFFFFFF, s12;
	s15 =	sshrl.u32 @!p1 s11, $0x3;
	s14 =	sshll.u32 @!p1 s14, $0xE  }
0x24: {  	s16 =	sand.u32 @!p1 $0x7, s11;
	s15 =	sadd.s32 @!p1 s4, s15;
	s14 =	sand.u32 @!p1 $0x4000, s14  }
0x25: {  	[tilespmem:s14], [sflag:$0x2] =	stream.linear.gather @!p1 [hbm4b:s15+s16], $0x4000, $0x38;
	[tilespmem:$0x10000] =	vst v63  }
0x26: {  	p1 =	sge.u32 s31, s8  }
.Ltmp2:
0x27: {  	_ = 	snop;
	(pc) =	sbr.rel @p1 .LBB2_5-.Ltmp2, $1  }
0x28: {  	_ =	sdelay $0x3  }
0x29: {  	s14 =	simm.s32 $0x1  }
0x2a: {  	_ =	swait.ge [sflag:s7], $0x4000;
	s14 =	simm.s32 @!p0 $0x0  }
0x2b: {  	[sflag:s7] =	ssyncset.done $0x0;
	s14 =	sshll.u32 s14, $0xE  }
0x2c: {  	[sflag:s7] =	ssyncadd.s32 $0xFFFFC000;
	(ifvalue) =	ssetifvalue $0x7FFFFFFF;
	v0 =	vld.msk [tilespmem:s14+$0x0 ss:$0x1], $0xffff;
	_ =	sdelay $0x4  }
0x2d: {  	s15 =	sadd.s32 $0x10, s14;
	vm1 =	vgt.s32 v0, $0x0  }
0x2e: {  	v2 =	vld.msk [tilespmem:s15+$0x0 ss:$0x1], $0xffff;
	v1 =	vnsel vm1, $0x0, v0  }
0x2f: {  	v1 =	vmin.u32 v1, $0xF423F;
	_ =	sdelay $0x1  }
0x30: {  	s16 =	sshll.u32 s12, $0xE;
	s18 =	simm.s32 $0x20  }
0x31: {  	s16 =	sand.u32 $0x4000, s16;
	s17 =	sadd.s32 $0x10, s15;
	s15 =	sor.u32 $0x8000, s14  }
0x32: {  	s14 =	sor.u32 $0x8000, s16;
	s16 =	sadd.s32 $0x10, s15;
	v0 =	vld.msk [tilespmem:s17+$0x0 ss:$0x1], $0xffff;
	vm1 =	vgt.s32 v2, $0x0;
	(ifvalue) =	ssetifvalue $0x7FFFFFFF  }
.LBB2_3:
0x33: {  	[tilespmem:s15], [sflag:$0x1] =	stream.indirect_vreg.gather [hbm4b:s3+s10], $0x1, v1, vm0, $0x4038;
	[tilespmem:$0x10000] =	vst v63  }
0x34: {  	s18 =	sadd.s32 $0x10, s18  }
0x35: {  	v2 =	vnsel vm1, $0x0, v2;
	p1 =	slt.u32 s18, $0x3FF0  }
.Ltmp3:
0x36: {  	s15 =	smov.u32 s16;
	v1 =	vmin.u32 v2, $0xF423F;
	(pc) =	sbr.rel @p1 .LBB2_3-.Ltmp3, $3  }
0x37: {  	_ =	sdelay $0x1  }
0x38: {  	s17 =	sadd.s32 $0x10, s17  }
0x39: {  	vm1 =	vgt.s32 v0, $0x0;
	s16 =	sadd.s32 $0x10, s16;
	v2 =	vmov v0;
	(ifvalue) =	ssetifvalue $0x7FFFFFFF;
	v0 =	vld.msk [tilespmem:s17+$0x0 ss:$0x1], $0xffff  }
.Ltmp4:
0x3a: {  	_ = 	snop;
	(pc) =	sbr.rel .LBB2_4-.Ltmp4, $1  }
0x3b: {  	_ =	sdelay $0x3  }
.LBB2_6:
0x3c: {  	_ =	sfence.sel $0x180000  }
0x3d: {  	s2 =	simm.s32 $0x2;
	[bflag:$0x0] =	sbarrier.arrive $0xFFFF  }
0x3e: {  	s30 =	simm.s32 $0x3;
	[sflag:s2] =	ssyncpa.u1 $0x1  }
0x3f: {  	s31 =	simm.s32 $0x1;
	[sflag:s30] =	ssyncpa.u1 $0x1  }
0x40: {  	[sflag:s31] =	ssyncpa.u1 $0x1  }
0x41: {  	p0 =	sne.s32 s1, $0x0;
	_ =	strace $0x9000004A  }
0x42: {  	s0 =	sadd.s32 @!p0 $0x100000, s0;
	[bflag:$0x2] =	sbarrier.arrive $0xFFFF  }
0x43: {  	[sflag:s0] =	ssyncadd.tile.s32 @!p0 $0x1;
	_ =	shalt  }
.Lfunc_end2:
_tile_overlayer_lowered:
.L_overlay_start_2:
0x44: {  	(tag) =	ssettag $0x2  }
0x45: {  	s0 =	rddreg [dreg:$0x0];
	s2 =	stileid.u32  }
0x46: {  	s1 =	rddreg [dreg:$0x1];
	p0 =	sne.s32 s2, $0x0  }
0x47: {  	s3 =	rddreg [dreg:$0x2];
	[bflag:$0x3] =	sbarrier.arrive $0xFFFF;
	s2 =	simm.s32 @!p0 $0x1C01  }
0x48: {  	[timem:s3], [sflag:s2] =	dma.local @!p0 [hbm:s0], s1  }
0x49: {  	s0 =	simm.s32 @!p0 $0x1  }
0x4a: {  	_ =	swait.ge @!p0 [sflag:s0], s1  }
0x4b: {  	s1 =	ssub.s32 @!p0 $0x0, s1;
	[sflag:s0] =	ssyncset.done @!p0 $0x0  }
0x4c: {  	[sflag:s0] =	ssyncadd.s32 @!p0 s1  }
0x4d: {  	[bflag:$0x3] =	sbarrier.arrive $0xFFFF  }
0x4e: {  	_ =	shalt  }

// kernel: gather_offload_async_start.3
scs
__scs_entry_jumppad:
0x0: {  	(pc) =	sbr.rel $0x88, $3  }
0x1: {  	(tag) =	ssettag $0x0;
	lr =	simm.s32 $0x1  }
0x2: {  	[smem:$0x3F9F] =	sst lr;
	_ =	strace $0xD0000000  }
0x3: {  	_ = 	snop  }
0x4: {  	_ = 	snop  }
0x5: {  	_ = 	snop  }
0x6: {  	_ = 	snop  }
0x7: {  	_ = 	snop  }
__scs_overlays_trampoline_lowered:
0x8: {  	[smem:$0x3FAE] =	sst s0  }
0x9: {  	[smem:$0x3FAF] =	sst s1  }
0xa: {  	[smem:$0x3FB0] =	sst s2  }
0xb: {  	[smem:$0x3FB1] =	sst s3  }
0xc: {  	[smem:$0x3FB2] =	sst s4  }
0xd: {  	[smem:$0x3FB3] =	sst s5  }
0xe: {  	[smem:$0x3FB4] =	sst s6  }
0xf: {  	[smem:$0x3FB5] =	sst s7  }
0x10: {  	[smem:$0x3FB6] =	sst s8  }
0x11: {  	[smem:$0x3FB7] =	sst s9;
	s0 =	simm.s32 @!p0 $0x0  }
0x12: {  	s1 =	sld [smem:$0x3F9D];
	s0 =	simm.s32 @p0 $0x1  }
0x13: {  	[smem:$0x3FB8] =	sst s0;
	s0 =	simm.s32 @!p1 $0x0  }
0x14: {  	s2 =	sld [smem:$0x3F9C];
	s0 =	simm.s32 @p1 $0x1  }
0x15: {  	[smem:$0x3FB9] =	sst s0;
	s0 =	simm.s32 @!p2 $0x0  }
0x16: {  	s3 =	sld [smem:$0x3FDB];
	s0 =	simm.s32 @p2 $0x1  }
0x17: {  	s4 =	simm.s32 $0x1BF5;
	[smem:$0x3FBB] =	sst s0  }
0x18: {  	s0 =	sld [smem:$0x3F9E];
	_ =	swait.ge [sflag:s4], $0x0  }
0x19: {  	s7 =	sld [smem:$0x3F9F]  }
0x1a: {  	s8 =	sadd.s32 $0xFFFFE003, lr  }
0x1b: {  	s9 =	sadd.s32 $0xFFFFFEF7, lr;
	s5 =	simm.s32 $0xFFFFFFFF;
	p2 =	slt.u32 s8, $0xFFFFF086  }
0x1c: {  	p1 =	slt.u32 s9, $0xF7A;
	s5 =	simm.s32 @!p2 $0x0  }
0x1d: {  	s5 =	simm.s32 @p1 $0x1;
	p0 =	seq.s32 s7, s2  }
0x1e: {  	s7 =	smul.u32 @!p0 $0xF7A, s2;
	p2 =	seq.s32 @!p0 s5, $0x0  }
0x1f: {  	s9 =	smul.u32 $0xF7A, s1;
	s8 =	simm.s32 @!p0 $0x1BF5;
	p2 =	por !p2, p0  }
0x20: {  	[sflag:s8] =	ssyncset.s32 @!p0 $0xFFFFF086;
	s6 =	sadd.s32 @!p0 s3, s7;
	s7 =	simm.s32 @!p0 $0x108  }
0x21: {  	s3 =	sadd.s32 s3, s9;
	s6 =	sadd.s32 @!p0 $0x88, s6;
	s7 =	simm.s32 @p2 $0x1082  }
0x22: {  	[simem:s7], [sflag:s8] =	dma.local @!p0 [hbm:s6], $0xF7A  }
0x23: {  	s9 =	sor.u32 $0xD0000000, s2;
	s6 =	simm.s32 $0x108;
	_ =	swait.ge @!p0 [sflag:s8], $0x0  }
0x24: {  	s3 =	sadd.s32 $0x88, s3;
	s6 =	simm.s32 @!p1 $0x1082;
	[sflag:s4] =	ssyncset.s32 $0xFFFFF086  }
0x25: {  	[simem:s6], [sflag:s4] =	dma.local [hbm:s3], $0xF7A  }
0x26: {  	[smem:$0x3F9F] =	sst s1;
	(tag) =	ssettag s2;
	_ =	strace s9  }
0x27: {  	s1 =	sld [smem:$0x3FAF]  }
0x28: {  	s2 =	sld [smem:$0x3FB0]  }
0x29: {  	s4 =	sld [smem:$0x3FB2]  }
0x2a: {  	p0 =	seq.s32 s5, $0x0;
	s5 =	sld [smem:$0x3FB3]  }
0x2b: {  	s6 =	sld [smem:$0x3FB4]  }
0x2c: {  	s7 =	sld [smem:$0x3FB5]  }
0x2d: {  	s3 =	simm.s32 $0x108;
	s8 =	sld [smem:$0x3FB6]  }
0x2e: {  	s3 =	simm.s32 @!p0 $0x1082;
	s9 =	sld [smem:$0x3FB7]  }
0x2f: {  	lr =	sadd.s32 s0, s3;
	s0 =	sld [smem:$0x3FAE]  }
0x30: {  	s3 =	sld [smem:$0x3FB1]  }
0x31: {  	[smem:$0x3FBA] =	sst s10  }
0x32: {  	s10 =	sld [smem:$0x3FB8];
	_ =	sdelay $0x3  }
0x33: {  	p0 =	seq.s32 s10, $0x1;
	s10 =	sld [smem:$0x3FBA];
	_ =	sdelay $0x3  }
0x34: {  	[smem:$0x3FBA] =	sst s10  }
0x35: {  	s10 =	sld [smem:$0x3FB9];
	_ =	sdelay $0x3  }
0x36: {  	p1 =	seq.s32 s10, $0x1;
	s10 =	sld [smem:$0x3FBA];
	_ =	sdelay $0x3  }
0x37: {  	[smem:$0x3FBA] =	sst s10  }
0x38: {  	s10 =	sld [smem:$0x3FBB]  }
0x39: {  	_ = 	snop;
	(pc) =	sbr.ind lr, $3  }
0x3a: {  	_ = 	snop  }
0x3b: {  	_ = 	snop  }
0x3c: {  	p2 =	seq.s32 s10, $0x1;
	s10 =	sld [smem:$0x3FBA]  }
0x3d: {  	_ =	shalt  }
0x3e: {  	_ =	shalt  }
0x3f: {  	_ =	shalt  }
0x40: {  	_ =	shalt  }
0x41: {  	_ =	shalt  }
0x42: {  	_ =	shalt  }
0x43: {  	_ =	shalt  }
0x44: {  	_ =	shalt  }
0x45: {  	_ =	shalt  }
0x46: {  	_ =	shalt  }
0x47: {  	_ =	shalt  }
0x48: {  	_ =	shalt  }
0x49: {  	_ =	shalt  }
0x4a: {  	_ =	shalt  }
0x4b: {  	_ =	shalt  }
0x4c: {  	_ =	shalt  }
0x4d: {  	_ =	shalt  }
0x4e: {  	_ =	shalt  }
0x4f: {  	_ =	shalt  }
0x50: {  	_ =	shalt  }
0x51: {  	_ =	shalt  }
0x52: {  	_ =	shalt  }
0x53: {  	_ =	shalt  }
0x54: {  	_ =	shalt  }
0x55: {  	_ =	shalt  }
0x56: {  	_ =	shalt  }
0x57: {  	_ =	shalt  }
0x58: {  	_ =	shalt  }
0x59: {  	_ =	shalt  }
0x5a: {  	_ =	shalt  }
0x5b: {  	_ =	shalt  }
0x5c: {  	_ =	shalt  }
0x5d: {  	_ =	shalt  }
0x5e: {  	_ =	shalt  }
0x5f: {  	_ =	shalt  }
0x60: {  	_ =	shalt  }
0x61: {  	_ =	shalt  }
0x62: {  	_ =	shalt  }
0x63: {  	_ =	shalt  }
0x64: {  	_ =	shalt  }
0x65: {  	_ =	shalt  }
0x66: {  	_ =	shalt  }
0x67: {  	_ =	shalt  }
0x68: {  	_ =	shalt  }
0x69: {  	_ =	shalt  }
0x6a: {  	_ =	shalt  }
0x6b: {  	_ =	shalt  }
0x6c: {  	_ =	shalt  }
0x6d: {  	_ =	shalt  }
0x6e: {  	_ =	shalt  }
0x6f: {  	_ =	shalt  }
0x70: {  	_ =	shalt  }
0x71: {  	_ =	shalt  }
0x72: {  	_ =	shalt  }
0x73: {  	_ =	shalt  }
0x74: {  	_ =	shalt  }
0x75: {  	_ =	shalt  }
0x76: {  	_ =	shalt  }
0x77: {  	_ =	shalt  }
0x78: {  	_ =	shalt  }
0x79: {  	_ =	shalt  }
0x7a: {  	_ =	shalt  }
0x7b: {  	_ =	shalt  }
0x7c: {  	_ =	shalt  }
0x7d: {  	_ =	shalt  }
0x7e: {  	_ =	shalt  }
0x7f: {  	_ =	shalt  }
0x80: {  	_ =	shalt  }
0x81: {  	_ =	shalt  }
0x82: {  	_ =	shalt  }
0x83: {  	_ =	shalt  }
0x84: {  	_ =	shalt  }
0x85: {  	_ =	shalt  }
0x86: {  	_ =	shalt  }
0x87: {  	_ =	shalt  }
.Lfunc_end0:
.L_simem_size_0:
called_computation.3_lowered:
.L_overlay_start_0:
0x88: {  	s2 =	sld [smem:$0x3FD9]  }
0x89: {  	s3 =	sld [smem:$0x3FFE];
	_ =	sdelay $0x1  }
0x8a: {  	s1 =	srdreg.scid  }
0x8b: {  	s0 =	sand.u32 $0x1, s1  }
0x8c: {  	s16 =	sshll.u32 s0, $0xA;
	s2 =	sadd.s32 s3, s2  }
0x8d: {  	s2 =	sadd.s32 s2, s16  }
0x8e: {  	[smem:$0x3FC6] =	sst s2  }
0x8f: {  	_ = 	snop  }
0x90: {  	(tm) =	ssettm $0x1  }
0x91: {  	s17 =	sld [smem:$0x3FFB];
	_ =	sdelay $0x3  }
0x92: {  	_ =	strace s17  }
0x93: {  	s2 =	sld [smem:$0x3FFC];
	_ =	sdelay $0x3  }
0x94: {  	_ =	strace s2  }
0x95: {  	s2 =	sld [smem:$0x3FFD];
	_ =	sdelay $0x3  }
0x96: {  	_ =	strace s2  }
0x97: {  	_ =	strace $0x8FFFFFFF  }
0x98: {  	s18 =	sld [smem:$0x3FDB];
	_ =	sdelay $0x1  }
0x99: {  	s19 =	simm.s32 $_scs_section_size  }
0x9a: {  	s4 =	simm.s32 $_size__tile_overlayer_lowered;
	s5 =	simm.s32 $_tile_overlayer_lowered  }
0x9b: {  	s22 =	simm.s32 $0x1BFF;
	s21 =	sshll.u32 s5, $0x1;
	s2 =	sadd.s32 s19, s18  }
0x9c: {  	s6 =	simm.s32 $0x0;
	s20 =	sshll.u32 s4, $0x1;
	s4 =	sadd.s32 s21, s2  }
0x9d: {  	[timem:s6], [sflag:s22] =	dma.local [hbm:s4], s20  }
0x9e: {  	_ =	swait.ge [sflag:s22], s20  }
0x9f: {  	s3 =	ssub.s32 $0x0, s20;
	[sflag:s22] =	ssyncset.done $0x0  }
0xa0: {  	[sflag:s22] =	ssyncadd.s32 s3;
	_ =	sdelay $0x1  }
0xa1: {  	s23 =	simm.s32 $0x1B8B  }
0xa2: {  	_ =	swait.ge [sflag:s23], $0x1  }
0xa3: {  	[sflag:s23] =	ssyncset.done $0x0  }
0xa4: {  	s25 =	simm.s32 $0x1B8E;
	s24 =	sld [smem:$0x3FFE];
	[sflag:s23] =	ssyncadd.s32 $0xFFFFFFFF  }
0xa5: {  	s26 =	simm.s32 $execute0_lowered;
	[smem:$0x3FD2] =	sst s25  }
0xa6: {  	s4 =	sshll.u32 s26, $0x1;
	_ =	strace $0x80000046;
	[dreg:$0x1] =	wrdreg $0xFFFFFFFF  }
0xa7: {  	s28 =	simm.s32 $_size_execute0_lowered;
	s2 =	sadd.s32 s2, s4;
	[dreg:$0x0] =	wrdreg $0x0  }
0xa8: {  	s4 =	sshll.u32 s28, $0x1;
	[dreg:$0x2] =	wrdreg s2  }
0xa9: {  	[dreg:$0x3] =	wrdreg s4  }
0xaa: {  	[dreg:$0x4] =	wrdreg $0xC0  }
0xab: {  	_ =	task [dreg:s6], $0x5FFFF  }
0xac: {  	[dreg:$0x1] =	wrdreg $0xFFFFFFFF  }
0xad: {  	[dreg:$0x0] =	wrdreg $0x60  }
0xae: {  	[dreg:$0x2] =	wrdreg s24  }
0xaf: {  	[dreg:$0x3] =	wrdreg $0x9  }
0xb0: {  	_ =	task.clear_ibuf [dreg:s6], $0x4FFFF;
	_ =	strace $0x90000046  }
0xb1: {  	s29 =	simm.s32 $0x9;
	_ =	strace $0x80000048  }
0xb2: {  	_ =	swait.ge [sflag:s29], $0x1  }
0xb3: {  	[sflag:s29] =	ssyncadd.s32 $0xFFFFFFFF  }
0xb4: {  	_ =	strace $0x90000048  }
0xb5: {  	_ =	sfence  }
0xb6: {  	s30 =	sld [smem:$0x0];
	_ =	sdelay $0x2  }
0xb7: {  	s31 =	sshll.u32 s1, $0xD;
	s1 =	sshrl.u32 s1, $0x2  }
0xb8: {  	s3 =	sand.u32 $0x4000, s31;
	s1 =	sadd.s32 s1, s30  }
0xb9: {  	s0 =	sor.u32 s3, s0;
	s1 =	sshll.u32 s1, $0x11  }
0xba: {  	s0 =	sor.u32 s1, s0  }
0xbb: {  	s0 =	sadd.s32 $0x8F2B, s0  }
0xbc: {  	[sflag:s0] =	ssyncadd.remote.s32 $0x1  }
0xbd: {  	_ =	sfence.sel $0xFFFF  }
0xbe: {  	[dreg:$0x0] =	wrdreg $0xFFFFFFFF;
	(pc) =	sbr.abs _section_cstart, $3  }
0xbf: {  	[dreg:$0x1] =	wrdreg $0xFFFFFFFF  }
0xc0: {  	_ =	task.clear_ibuf [dreg:s6], $0x2FFFF;
	_ =	strace $0x9FFFFFFF  }
0xc1: {  	(tm) =	ssettm $0x7FFFFFFF  }
tec
execute0_lowered:
.L_overlay_start_1:
0x0: {  	(tag) =	ssettag $0x1  }
0x1: {  	s0 =	srdreg.scid;
	s5 =	rddreg [dreg:$0x0]  }
0x2: {  	s1 =	stileid.u32;
	s6 =	simm.s32 $0x1;
	s9 =	simm.s32 $0x1  }
0x3: {  	s10 =	simm.s32 $0x3;
	s13 =	simm.s32 $0x0;
	s2 =	sshll.u32 s0, $0xE  }
0x4: {  	s12 =	simm.s32 $0x0;
	s3 =	sshll.u32 s1, $0xF;
	s2 =	sand.u32 $0x4000, s2  }
0x5: {  	s0 =	rddreg [dreg:$0x1];
	_ =	strace $0x80000047;
	s2 =	sor.u32 s3, s2  }
0x6: {  	s4 =	sadd.s32 $0x61000, s5;
	[sflag:s6] =	ssyncpa.u1 $0x0;
	s8 =	ssub.s32 $0x100000, s2  }
.Ltmp0:
0x7: {  	s3 =	sadd.s32 $0xE1000, s5;
	s7 =	sand.u32 $0x7C000, s8;
	(pc) =	sbr.rel .LBB2_1-.Ltmp0, $4  }
0x8: {  	s5 =	sadd.s32 $0x13E400, s5;
	s11 =	smov.u32 s2;
	p0 =	sne.s32 s7, $0x0  }
0x9: {  	s8 =	sshrl.u32 s8, $0x13;
	s7 =	simm.s32 $0x2;
	s9 =	simm.s32 @!p0 $0x0  }
0xa: {  	[sflag:s7] =	ssyncpa.u1 $0x0;
	p0 =	por $0x0, $0x0;
	s8 =	sadd.s32 s9, s8  }
0xb: {  	vm0 =	vmmov $0xffff;
	[sflag:s10] =	ssyncpa.u1 $0x0;
	s10 =	simm.s32 $0x0;
	s9 =	sadd.s32 $0x1, s8  }
.LBB2_4:
0xc: {  	v2 =	vnsel vm1, $0x0, v2  }
0xd: {  	vm1 =	vgt.s32 v0, $0x0;
	v2 =	vmin.u32 v2, $0xF423F  }
0xe: {  	v0 =	vnsel vm1, $0x0, v0  }
0xf: {  	v0 =	vmin.u32 v0, $0xF423F  }
0x10: {  	[tilespmem:s15], [sflag:$0x1] =	stream.indirect_vreg.gather [hbm4b:s3+s10], $0x1, v1, vm0, $0x4038;
	[tilespmem:$0x10000] =	vst v63  }
0x11: {  	(ifvalue) =	ssetifvalue $0x7FFFFFFF  }
0x12: {  	[tilespmem:s16], [sflag:$0x1] =	stream.indirect_vreg.gather [hbm4b:s3+s10], $0x1, v2, vm0, $0x4038;
	[tilespmem:$0x10000] =	vst v63  }
0x13: {  	s29 =	sadd.s32 $0x10, s16;
	(ifvalue) =	ssetifvalue $0x7FFFFFFF  }
0x14: {  	[tilespmem:s29], [sflag:$0x1] =	stream.indirect_vreg.gather [hbm4b:s3+s10], $0x1, v0, vm0, $0x4038;
	[tilespmem:$0x10000] =	vst v63  }
0x15: {  	_ =	swait.ge [sflag:s6], $0x4000  }
0x16: {  	s30 =	sshrl.u32 s13, $0x3;
	[sflag:s6] =	ssyncset.done $0x0  }
0x17: {  	s31 =	sand.u32 $0x7, s13;
	s15 =	sadd.s32 s5, s30;
	[sflag:s6] =	ssyncadd.s32 $0xFFFFC000  }
0x18: {  	[hbm4b:s15+s31] =	stream.linear.scatter [tilespmem:s14], [sflag:$0x3], $0x4000, $0x38;
	[tilespmem:$0x10000] =	vst v63  }
.LBB2_5:
0x19: {  	s15 =	sadd.s32 $0x80000, s11  }
0x1a: {  	p2 =	sgt.s32 s15, $0xFFFFF  }
0x1b: {  	s15 =	smov.u32 @p2 s2;
	p2 =	sne.s32 s12, s9  }
.Ltmp1:
0x1c: {  	p1 =	slt.u32 s12, $0x2;
	(pc) =	sbr.rel @!p2 .LBB2_6-.Ltmp1, $4  }
0x1d: {  	s14 =	simm.s32 @!p1 $0x3  }
0x1e: {  	s16 =	sadd.s32 $0x1, s12;
	_ =	swait.ge @!p1 [sflag:s14], $0x4000  }
0x1f: {  	s13 =	smov.u32 s11;
	p0 =	por !p0, !p0;
	[sflag:s14] =	ssyncset.done @!p1 $0x0  }
0x20: {  	s12 =	smov.u32 s16;
	s11 =	smov.u32 s15;
	[sflag:s14] =	ssyncadd.s32 @!p1 $0xFFFFC000  }
.LBB2_1:
0x21: {  	p1 =	sge.u32 s12, s8  }
0x22: {  	s14 =	sxor.u32 @!p1 $0xFFFFFFFF, s12  }
0x23: {  	s31 =	sadd.s32 $0xFFFFFFFF, s12;
	s15 =	sshrl.u32 @!p1 s11, $0x3;
	s14 =	sshll.u32 @!p1 s14, $0xE  }
0x24: {  	s16 =	sand.u32 @!p1 $0x7, s11;
	s15 =	sadd.s32 @!p1 s4, s15;
	s14 =	sand.u32 @!p1 $0x4000, s14  }
0x25: {  	[tilespmem:s14], [sflag:$0x2] =	stream.linear.gather @!p1 [hbm4b:s15+s16], $0x4000, $0x38;
	[tilespmem:$0x10000] =	vst v63  }
0x26: {  	p1 =	sge.u32 s31, s8  }
.Ltmp2:
0x27: {  	_ = 	snop;
	(pc) =	sbr.rel @p1 .LBB2_5-.Ltmp2, $1  }
0x28: {  	_ =	sdelay $0x3  }
0x29: {  	s14 =	simm.s32 $0x1  }
0x2a: {  	_ =	swait.ge [sflag:s7], $0x4000;
	s14 =	simm.s32 @!p0 $0x0  }
0x2b: {  	[sflag:s7] =	ssyncset.done $0x0;
	s14 =	sshll.u32 s14, $0xE  }
0x2c: {  	[sflag:s7] =	ssyncadd.s32 $0xFFFFC000;
	(ifvalue) =	ssetifvalue $0x7FFFFFFF;
	v0 =	vld.msk [tilespmem:s14+$0x0 ss:$0x1], $0xffff;
	_ =	sdelay $0x4  }
0x2d: {  	s15 =	sadd.s32 $0x10, s14;
	vm1 =	vgt.s32 v0, $0x0  }
0x2e: {  	v2 =	vld.msk [tilespmem:s15+$0x0 ss:$0x1], $0xffff;
	v1 =	vnsel vm1, $0x0, v0  }
0x2f: {  	v1 =	vmin.u32 v1, $0xF423F;
	_ =	sdelay $0x1  }
0x30: {  	s16 =	sshll.u32 s12, $0xE;
	s18 =	simm.s32 $0x20  }
0x31: {  	s16 =	sand.u32 $0x4000, s16;
	s17 =	sadd.s32 $0x10, s15;
	s15 =	sor.u32 $0x8000, s14  }
0x32: {  	s14 =	sor.u32 $0x8000, s16;
	s16 =	sadd.s32 $0x10, s15;
	v0 =	vld.msk [tilespmem:s17+$0x0 ss:$0x1], $0xffff;
	vm1 =	vgt.s32 v2, $0x0;
	(ifvalue) =	ssetifvalue $0x7FFFFFFF  }
.LBB2_3:
0x33: {  	[tilespmem:s15], [sflag:$0x1] =	stream.indirect_vreg.gather [hbm4b:s3+s10], $0x1, v1, vm0, $0x4038;
	[tilespmem:$0x10000] =	vst v63  }
0x34: {  	s18 =	sadd.s32 $0x10, s18  }
0x35: {  	v2 =	vnsel vm1, $0x0, v2;
	p1 =	slt.u32 s18, $0x3FF0  }
.Ltmp3:
0x36: {  	s15 =	smov.u32 s16;
	v1 =	vmin.u32 v2, $0xF423F;
	(pc) =	sbr.rel @p1 .LBB2_3-.Ltmp3, $3  }
0x37: {  	_ =	sdelay $0x1  }
0x38: {  	s17 =	sadd.s32 $0x10, s17  }
0x39: {  	vm1 =	vgt.s32 v0, $0x0;
	s16 =	sadd.s32 $0x10, s16;
	v2 =	vmov v0;
	(ifvalue) =	ssetifvalue $0x7FFFFFFF;
	v0 =	vld.msk [tilespmem:s17+$0x0 ss:$0x1], $0xffff  }
.Ltmp4:
0x3a: {  	_ = 	snop;
	(pc) =	sbr.rel .LBB2_4-.Ltmp4, $1  }
0x3b: {  	_ =	sdelay $0x3  }
.LBB2_6:
0x3c: {  	_ =	sfence.sel $0x180000  }
0x3d: {  	s2 =	simm.s32 $0x2;
	[bflag:$0x0] =	sbarrier.arrive $0xFFFF  }
0x3e: {  	s30 =	simm.s32 $0x3;
	[sflag:s2] =	ssyncpa.u1 $0x1  }
0x3f: {  	s31 =	simm.s32 $0x1;
	[sflag:s30] =	ssyncpa.u1 $0x1  }
0x40: {  	[sflag:s31] =	ssyncpa.u1 $0x1  }
0x41: {  	p0 =	sne.s32 s1, $0x0;
	_ =	strace $0x90000047  }
0x42: {  	s0 =	sadd.s32 @!p0 $0x100000, s0;
	[bflag:$0x2] =	sbarrier.arrive $0xFFFF  }
0x43: {  	[sflag:s0] =	ssyncadd.tile.s32 @!p0 $0x1;
	_ =	shalt  }
.Lfunc_end2:
_tile_overlayer_lowered:
.L_overlay_start_2:
0x44: {  	(tag) =	ssettag $0x2  }
0x45: {  	s0 =	rddreg [dreg:$0x0];
	s2 =	stileid.u32  }
0x46: {  	s1 =	rddreg [dreg:$0x1];
	p0 =	sne.s32 s2, $0x0  }
0x47: {  	s3 =	rddreg [dreg:$0x2];
	[bflag:$0x3] =	sbarrier.arrive $0xFFFF;
	s2 =	simm.s32 @!p0 $0x1C01  }
0x48: {  	[timem:s3], [sflag:s2] =	dma.local @!p0 [hbm:s0], s1  }
0x49: {  	s0 =	simm.s32 @!p0 $0x1  }
0x4a: {  	_ =	swait.ge @!p0 [sflag:s0], s1  }
0x4b: {  	s1 =	ssub.s32 @!p0 $0x0, s1;
	[sflag:s0] =	ssyncset.done @!p0 $0x0  }
0x4c: {  	[sflag:s0] =	ssyncadd.s32 @!p0 s1  }
0x4d: {  	[bflag:$0x3] =	sbarrier.arrive $0xFFFF  }
0x4e: {  	_ =	shalt  }

// kernel: gather_offload_async_start
scs
__scs_entry_jumppad:
0x0: {  	(pc) =	sbr.rel $0x88, $3  }
0x1: {  	(tag) =	ssettag $0x0;
	lr =	simm.s32 $0x1  }
0x2: {  	[smem:$0x3F9F] =	sst lr;
	_ =	strace $0xD0000000  }
0x3: {  	_ = 	snop  }
0x4: {  	_ = 	snop  }
0x5: {  	_ = 	snop  }
0x6: {  	_ = 	snop  }
0x7: {  	_ = 	snop  }
__scs_overlays_trampoline_lowered:
0x8: {  	[smem:$0x3FAE] =	sst s0  }
0x9: {  	[smem:$0x3FAF] =	sst s1  }
0xa: {  	[smem:$0x3FB0] =	sst s2  }
0xb: {  	[smem:$0x3FB1] =	sst s3  }
0xc: {  	[smem:$0x3FB2] =	sst s4  }
0xd: {  	[smem:$0x3FB3] =	sst s5  }
0xe: {  	[smem:$0x3FB4] =	sst s6  }
0xf: {  	[smem:$0x3FB5] =	sst s7  }
0x10: {  	[smem:$0x3FB6] =	sst s8  }
0x11: {  	[smem:$0x3FB7] =	sst s9;
	s0 =	simm.s32 @!p0 $0x0  }
0x12: {  	s1 =	sld [smem:$0x3F9D];
	s0 =	simm.s32 @p0 $0x1  }
0x13: {  	[smem:$0x3FB8] =	sst s0;
	s0 =	simm.s32 @!p1 $0x0  }
0x14: {  	s2 =	sld [smem:$0x3F9C];
	s0 =	simm.s32 @p1 $0x1  }
0x15: {  	[smem:$0x3FB9] =	sst s0;
	s0 =	simm.s32 @!p2 $0x0  }
0x16: {  	s3 =	sld [smem:$0x3FDB];
	s0 =	simm.s32 @p2 $0x1  }
0x17: {  	s4 =	simm.s32 $0x1BF5;
	[smem:$0x3FBB] =	sst s0  }
0x18: {  	s0 =	sld [smem:$0x3F9E];
	_ =	swait.ge [sflag:s4], $0x0  }
0x19: {  	s7 =	sld [smem:$0x3F9F]  }
0x1a: {  	s8 =	sadd.s32 $0xFFFFE003, lr  }
0x1b: {  	s9 =	sadd.s32 $0xFFFFFEF7, lr;
	s5 =	simm.s32 $0xFFFFFFFF;
	p2 =	slt.u32 s8, $0xFFFFF086  }
0x1c: {  	p1 =	slt.u32 s9, $0xF7A;
	s5 =	simm.s32 @!p2 $0x0  }
0x1d: {  	s5 =	simm.s32 @p1 $0x1;
	p0 =	seq.s32 s7, s2  }
0x1e: {  	s7 =	smul.u32 @!p0 $0xF7A, s2;
	p2 =	seq.s32 @!p0 s5, $0x0  }
0x1f: {  	s9 =	smul.u32 $0xF7A, s1;
	s8 =	simm.s32 @!p0 $0x1BF5;
	p2 =	por !p2, p0  }
0x20: {  	[sflag:s8] =	ssyncset.s32 @!p0 $0xFFFFF086;
	s6 =	sadd.s32 @!p0 s3, s7;
	s7 =	simm.s32 @!p0 $0x108  }
0x21: {  	s3 =	sadd.s32 s3, s9;
	s6 =	sadd.s32 @!p0 $0x88, s6;
	s7 =	simm.s32 @p2 $0x1082  }
0x22: {  	[simem:s7], [sflag:s8] =	dma.local @!p0 [hbm:s6], $0xF7A  }
0x23: {  	s9 =	sor.u32 $0xD0000000, s2;
	s6 =	simm.s32 $0x108;
	_ =	swait.ge @!p0 [sflag:s8], $0x0  }
0x24: {  	s3 =	sadd.s32 $0x88, s3;
	s6 =	simm.s32 @!p1 $0x1082;
	[sflag:s4] =	ssyncset.s32 $0xFFFFF086  }
0x25: {  	[simem:s6], [sflag:s4] =	dma.local [hbm:s3], $0xF7A  }
0x26: {  	[smem:$0x3F9F] =	sst s1;
	(tag) =	ssettag s2;
	_ =	strace s9  }
0x27: {  	s1 =	sld [smem:$0x3FAF]  }
0x28: {  	s2 =	sld [smem:$0x3FB0]  }
0x29: {  	s4 =	sld [smem:$0x3FB2]  }
0x2a: {  	p0 =	seq.s32 s5, $0x0;
	s5 =	sld [smem:$0x3FB3]  }
0x2b: {  	s6 =	sld [smem:$0x3FB4]  }
0x2c: {  	s7 =	sld [smem:$0x3FB5]  }
0x2d: {  	s3 =	simm.s32 $0x108;
	s8 =	sld [smem:$0x3FB6]  }
0x2e: {  	s3 =	simm.s32 @!p0 $0x1082;
	s9 =	sld [smem:$0x3FB7]  }
0x2f: {  	lr =	sadd.s32 s0, s3;
	s0 =	sld [smem:$0x3FAE]  }
0x30: {  	s3 =	sld [smem:$0x3FB1]  }
0x31: {  	[smem:$0x3FBA] =	sst s10  }
0x32: {  	s10 =	sld [smem:$0x3FB8];
	_ =	sdelay $0x3  }
0x33: {  	p0 =	seq.s32 s10, $0x1;
	s10 =	sld [smem:$0x3FBA];
	_ =	sdelay $0x3  }
0x34: {  	[smem:$0x3FBA] =	sst s10  }
0x35: {  	s10 =	sld [smem:$0x3FB9];
	_ =	sdelay $0x3  }
0x36: {  	p1 =	seq.s32 s10, $0x1;
	s10 =	sld [smem:$0x3FBA];
	_ =	sdelay $0x3  }
0x37: {  	[smem:$0x3FBA] =	sst s10  }
0x38: {  	s10 =	sld [smem:$0x3FBB]  }
0x39: {  	_ = 	snop;
	(pc) =	sbr.ind lr, $3  }
0x3a: {  	_ = 	snop  }
0x3b: {  	_ = 	snop  }
0x3c: {  	p2 =	seq.s32 s10, $0x1;
	s10 =	sld [smem:$0x3FBA]  }
0x3d: {  	_ =	shalt  }
0x3e: {  	_ =	shalt  }
0x3f: {  	_ =	shalt  }
0x40: {  	_ =	shalt  }
0x41: {  	_ =	shalt  }
0x42: {  	_ =	shalt  }
0x43: {  	_ =	shalt  }
0x44: {  	_ =	shalt  }
0x45: {  	_ =	shalt  }
0x46: {  	_ =	shalt  }
0x47: {  	_ =	shalt  }
0x48: {  	_ =	shalt  }
0x49: {  	_ =	shalt  }
0x4a: {  	_ =	shalt  }
0x4b: {  	_ =	shalt  }
0x4c: {  	_ =	shalt  }
0x4d: {  	_ =	shalt  }
0x4e: {  	_ =	shalt  }
0x4f: {  	_ =	shalt  }
0x50: {  	_ =	shalt  }
0x51: {  	_ =	shalt  }
0x52: {  	_ =	shalt  }
0x53: {  	_ =	shalt  }
0x54: {  	_ =	shalt  }
0x55: {  	_ =	shalt  }
0x56: {  	_ =	shalt  }
0x57: {  	_ =	shalt  }
0x58: {  	_ =	shalt  }
0x59: {  	_ =	shalt  }
0x5a: {  	_ =	shalt  }
0x5b: {  	_ =	shalt  }
0x5c: {  	_ =	shalt  }
0x5d: {  	_ =	shalt  }
0x5e: {  	_ =	shalt  }
0x5f: {  	_ =	shalt  }
0x60: {  	_ =	shalt  }
0x61: {  	_ =	shalt  }
0x62: {  	_ =	shalt  }
0x63: {  	_ =	shalt  }
0x64: {  	_ =	shalt  }
0x65: {  	_ =	shalt  }
0x66: {  	_ =	shalt  }
0x67: {  	_ =	shalt  }
0x68: {  	_ =	shalt  }
0x69: {  	_ =	shalt  }
0x6a: {  	_ =	shalt  }
0x6b: {  	_ =	shalt  }
0x6c: {  	_ =	shalt  }
0x6d: {  	_ =	shalt  }
0x6e: {  	_ =	shalt  }
0x6f: {  	_ =	shalt  }
0x70: {  	_ =	shalt  }
0x71: {  	_ =	shalt  }
0x72: {  	_ =	shalt  }
0x73: {  	_ =	shalt  }
0x74: {  	_ =	shalt  }
0x75: {  	_ =	shalt  }
0x76: {  	_ =	shalt  }
0x77: {  	_ =	shalt  }
0x78: {  	_ =	shalt  }
0x79: {  	_ =	shalt  }
0x7a: {  	_ =	shalt  }
0x7b: {  	_ =	shalt  }
0x7c: {  	_ =	shalt  }
0x7d: {  	_ =	shalt  }
0x7e: {  	_ =	shalt  }
0x7f: {  	_ =	shalt  }
0x80: {  	_ =	shalt  }
0x81: {  	_ =	shalt  }
0x82: {  	_ =	shalt  }
0x83: {  	_ =	shalt  }
0x84: {  	_ =	shalt  }
0x85: {  	_ =	shalt  }
0x86: {  	_ =	shalt  }
0x87: {  	_ =	shalt  }
.Lfunc_end0:
.L_simem_size_0:
called_computation_lowered:
.L_overlay_start_0:
0x88: {  	s2 =	sld [smem:$0x3FD9]  }
0x89: {  	s3 =	sld [smem:$0x3FFE];
	_ =	sdelay $0x1  }
0x8a: {  	s1 =	srdreg.scid  }
0x8b: {  	s0 =	sand.u32 $0x1, s1  }
0x8c: {  	s17 =	sshll.u32 s0, $0xA;
	s2 =	sadd.s32 s3, s2  }
0x8d: {  	s2 =	sadd.s32 s2, s17  }
0x8e: {  	[smem:$0x3FC6] =	sst s2  }
0x8f: {  	_ = 	snop  }
0x90: {  	(tm) =	ssettm $0x1  }
0x91: {  	s18 =	sld [smem:$0x3FFB];
	_ =	sdelay $0x3  }
0x92: {  	_ =	strace s18  }
0x93: {  	s2 =	sld [smem:$0x3FFC];
	_ =	sdelay $0x3  }
0x94: {  	_ =	strace s2  }
0x95: {  	s2 =	sld [smem:$0x3FFD];
	_ =	sdelay $0x3  }
0x96: {  	_ =	strace s2  }
0x97: {  	_ =	strace $0x8FFFFFFF  }
0x98: {  	s19 =	sld [smem:$0x3FDB];
	_ =	sdelay $0x1  }
0x99: {  	s20 =	simm.s32 $_scs_section_size  }
0x9a: {  	s4 =	simm.s32 $_size__tile_overlayer_lowered;
	s5 =	simm.s32 $_tile_overlayer_lowered  }
0x9b: {  	s6 =	simm.s32 $0x1BFF;
	s21 =	sshll.u32 s5, $0x1;
	s3 =	sadd.s32 s20, s19  }
0x9c: {  	s22 =	simm.s32 $0x0;
	s4 =	sshll.u32 s4, $0x1;
	s5 =	sadd.s32 s21, s3  }
0x9d: {  	[timem:s22], [sflag:s6] =	dma.local [hbm:s5], s4  }
0x9e: {  	_ =	swait.ge [sflag:s6], s4  }
0x9f: {  	s4 =	ssub.s32 $0x0, s4;
	[sflag:s6] =	ssyncset.done $0x0  }
0xa0: {  	[sflag:s6] =	ssyncadd.s32 s4;
	_ =	sdelay $0x1  }
0xa1: {  	s23 =	simm.s32 $0x1B8B  }
0xa2: {  	_ =	swait.ge [sflag:s23], $0x1  }
0xa3: {  	[sflag:s23] =	ssyncset.done $0x0  }
0xa4: {  	[sflag:s23] =	ssyncadd.s32 $0xFFFFFFFF  }
0xa5: {  	s4 =	sld [smem:$0x0]  }
0xa6: {  	s5 =	sand.u32 $0xFFFFFFFE, s1  }
0xa7: {  	p0 =	sne.s32 s1, s5  }
0xa8: {  	s5 =	sshll.u32 @p0 s5, $0xE  }
0xa9: {  	s5 =	sadd.s32 @p0 $0x11B8D, s5;
	s6 =	sshll.u32 @p0 s4, $0x11  }
0xaa: {  	s5 =	sor.u32 @p0 s6, s5  }
0xab: {  	[sflag:s5] =	ssyncadd.remote.s32 @p0 $0x1;
	_ =	sdelay $0x1  }
0xac: {  	s5 =	simm.s32 @p0 $0x1B8D  }
0xad: {  	_ =	swait.eq @p0 [sflag:s5], $0x1  }
0xae: {  	[sflag:s5] =	ssyncadd.s32 @p0 $0xFFFFFFFF  }
0xaf: {  	s6 =	sshll.u32 @!p0 s1, $0xE  }
0xb0: {  	s6 =	sor.u32 @!p0 $0x4000, s6;
	s5 =	simm.s32 @!p0 $0x1B8D  }
0xb1: {  	s4 =	sshll.u32 @!p0 s4, $0x11;
	s6 =	sadd.s32 @!p0 $0x11B8D, s6;
	_ =	swait.eq @!p0 [sflag:s5], $0x1  }
0xb2: {  	s4 =	sor.u32 @!p0 s4, s6;
	[sflag:s5] =	ssyncadd.s32 @!p0 $0xFFFFFFFF  }
0xb3: {  	s25 =	simm.s32 $0x1B8E;
	s24 =	sld [smem:$0x3FFE];
	[sflag:s4] =	ssyncadd.remote.s32 @!p0 $0x1  }
0xb4: {  	s26 =	simm.s32 $execute0_lowered;
	[smem:$0x3FD2] =	sst s25  }
0xb5: {  	s5 =	sshll.u32 s26, $0x1;
	_ =	strace $0x8000004F;
	[dreg:$0x1] =	wrdreg $0xFFFFFFFF  }
0xb6: {  	s28 =	simm.s32 $_size_execute0_lowered;
	s3 =	sadd.s32 s3, s5;
	[dreg:$0x0] =	wrdreg $0x0  }
0xb7: {  	s5 =	sshll.u32 s28, $0x1;
	[dreg:$0x2] =	wrdreg s3  }
0xb8: {  	[dreg:$0x3] =	wrdreg s5  }
0xb9: {  	[dreg:$0x4] =	wrdreg $0xC0  }
0xba: {  	_ =	task [dreg:s22], $0x5FFFF  }
0xbb: {  	[dreg:$0x1] =	wrdreg $0xFFFFFFFF  }
0xbc: {  	[dreg:$0x0] =	wrdreg $0x60  }
0xbd: {  	[dreg:$0x2] =	wrdreg s24  }
0xbe: {  	[dreg:$0x3] =	wrdreg $0xA  }
0xbf: {  	_ =	task.clear_ibuf [dreg:s22], $0x4FFFF;
	_ =	strace $0x9000004F  }
0xc0: {  	s29 =	simm.s32 $0xA;
	_ =	strace $0x80000051  }
0xc1: {  	_ =	swait.ge [sflag:s29], $0x1  }
0xc2: {  	[sflag:s29] =	ssyncadd.s32 $0xFFFFFFFF  }
0xc3: {  	_ =	strace $0x90000051  }
0xc4: {  	_ =	sfence  }
0xc5: {  	s30 =	sld [smem:$0x0];
	_ =	sdelay $0x2  }
0xc6: {  	s31 =	sshll.u32 s1, $0xD;
	s1 =	sshrl.u32 s1, $0x2  }
0xc7: {  	s4 =	sand.u32 $0x4000, s31;
	s1 =	sadd.s32 s1, s30  }
0xc8: {  	s0 =	sor.u32 s4, s0;
	s1 =	sshll.u32 s1, $0x11  }
0xc9: {  	s0 =	sor.u32 s1, s0  }
0xca: {  	s0 =	sadd.s32 $0x8F2B, s0  }
0xcb: {  	[sflag:s0] =	ssyncadd.remote.s32 $0x1  }
0xcc: {  	_ =	sfence.sel $0xFFFF  }
0xcd: {  	[dreg:$0x0] =	wrdreg $0xFFFFFFFF;
	(pc) =	sbr.abs _section_cstart, $3  }
0xce: {  	[dreg:$0x1] =	wrdreg $0xFFFFFFFF  }
0xcf: {  	_ =	task.clear_ibuf [dreg:s22], $0x2FFFF;
	_ =	strace $0x9FFFFFFF  }
0xd0: {  	(tm) =	ssettm $0x7FFFFFFF  }
0xd1: {  	_ =	shalt  }
tec
execute0_lowered:
.L_overlay_start_1:
0x0: {  	(tag) =	ssettag $0x1  }
0x1: {  	s0 =	srdreg.scid;
	s5 =	rddreg [dreg:$0x0]  }
0x2: {  	s1 =	stileid.u32;
	s6 =	simm.s32 $0x1;
	s9 =	simm.s32 $0x1  }
0x3: {  	s10 =	simm.s32 $0x3;
	s13 =	simm.s32 $0x0;
	s2 =	sshll.u32 s0, $0xE  }
0x4: {  	s12 =	simm.s32 $0x0;
	s3 =	sshll.u32 s1, $0xF;
	s2 =	sand.u32 $0x4000, s2  }
0x5: {  	s0 =	rddreg [dreg:$0x1];
	_ =	strace $0x80000050;
	s2 =	sor.u32 s3, s2  }
0x6: {  	s4 =	sadd.s32 $0xC1000, s5;
	[sflag:s6] =	ssyncpa.u1 $0x0;
	s8 =	ssub.s32 $0x100000, s2  }
.Ltmp0:
0x7: {  	s3 =	sadd.s32 $0xE1000, s5;
	s7 =	sand.u32 $0x7C000, s8;
	(pc) =	sbr.rel .LBB2_1-.Ltmp0, $4  }
0x8: {  	s5 =	sadd.s32 $0xFFA00, s5;
	s11 =	smov.u32 s2;
	p0 =	sne.s32 s7, $0x0  }
0x9: {  	s8 =	sshrl.u32 s8, $0x13;
	s7 =	simm.s32 $0x2;
	s9 =	simm.s32 @!p0 $0x0  }
0xa: {  	[sflag:s7] =	ssyncpa.u1 $0x0;
	p0 =	por $0x0, $0x0;
	s8 =	sadd.s32 s9, s8  }
0xb: {  	vm0 =	vmmov $0xffff;
	[sflag:s10] =	ssyncpa.u1 $0x0;
	s10 =	simm.s32 $0x0;
	s9 =	sadd.s32 $0x1, s8  }
.LBB2_4:
0xc: {  	v2 =	vnsel vm1, $0x0, v2  }
0xd: {  	vm1 =	vgt.s32 v0, $0x0;
	v2 =	vmin.u32 v2, $0xF423F  }
0xe: {  	v0 =	vnsel vm1, $0x0, v0  }
0xf: {  	v0 =	vmin.u32 v0, $0xF423F  }
0x10: {  	[tilespmem:s15], [sflag:$0x1] =	stream.indirect_vreg.gather [hbm4b:s3+s10], $0x1, v1, vm0, $0x4038;
	[tilespmem:$0x10000] =	vst v63  }
0x11: {  	(ifvalue) =	ssetifvalue $0x7FFFFFFF  }
0x12: {  	[tilespmem:s16], [sflag:$0x1] =	stream.indirect_vreg.gather [hbm4b:s3+s10], $0x1, v2, vm0, $0x4038;
	[tilespmem:$0x10000] =	vst v63  }
0x13: {  	s29 =	sadd.s32 $0x10, s16;
	(ifvalue) =	ssetifvalue $0x7FFFFFFF  }
0x14: {  	[tilespmem:s29], [sflag:$0x1] =	stream.indirect_vreg.gather [hbm4b:s3+s10], $0x1, v0, vm0, $0x4038;
	[tilespmem:$0x10000] =	vst v63  }
0x15: {  	_ =	swait.ge [sflag:s6], $0x4000  }
0x16: {  	s30 =	sshrl.u32 s13, $0x3;
	[sflag:s6] =	ssyncset.done $0x0  }
0x17: {  	s31 =	sand.u32 $0x7, s13;
	s15 =	sadd.s32 s5, s30;
	[sflag:s6] =	ssyncadd.s32 $0xFFFFC000  }
0x18: {  	[hbm4b:s15+s31] =	stream.linear.scatter [tilespmem:s14], [sflag:$0x3], $0x4000, $0x38;
	[tilespmem:$0x10000] =	vst v63  }
.LBB2_5:
0x19: {  	s15 =	sadd.s32 $0x80000, s11  }
0x1a: {  	p2 =	sgt.s32 s15, $0xFFFFF  }
0x1b: {  	s15 =	smov.u32 @p2 s2;
	p2 =	sne.s32 s12, s9  }
.Ltmp1:
0x1c: {  	p1 =	slt.u32 s12, $0x2;
	(pc) =	sbr.rel @!p2 .LBB2_6-.Ltmp1, $4  }
0x1d: {  	s14 =	simm.s32 @!p1 $0x3  }
0x1e: {  	s16 =	sadd.s32 $0x1, s12;
	_ =	swait.ge @!p1 [sflag:s14], $0x4000  }
0x1f: {  	s13 =	smov.u32 s11;
	p0 =	por !p0, !p0;
	[sflag:s14] =	ssyncset.done @!p1 $0x0  }
0x20: {  	s12 =	smov.u32 s16;
	s11 =	smov.u32 s15;
	[sflag:s14] =	ssyncadd.s32 @!p1 $0xFFFFC000  }
.LBB2_1:
0x21: {  	p1 =	sge.u32 s12, s8  }
0x22: {  	s14 =	sxor.u32 @!p1 $0xFFFFFFFF, s12  }
0x23: {  	s31 =	sadd.s32 $0xFFFFFFFF, s12;
	s15 =	sshrl.u32 @!p1 s11, $0x3;
	s14 =	sshll.u32 @!p1 s14, $0xE  }
0x24: {  	s16 =	sand.u32 @!p1 $0x7, s11;
	s15 =	sadd.s32 @!p1 s4, s15;
	s14 =	sand.u32 @!p1 $0x4000, s14  }
0x25: {  	[tilespmem:s14], [sflag:$0x2] =	stream.linear.gather @!p1 [hbm4b:s15+s16], $0x4000, $0x38;
	[tilespmem:$0x10000] =	vst v63  }
0x26: {  	p1 =	sge.u32 s31, s8  }
.Ltmp2:
0x27: {  	_ = 	snop;
	(pc) =	sbr.rel @p1 .LBB2_5-.Ltmp2, $1  }
0x28: {  	_ =	sdelay $0x3  }
0x29: {  	s14 =	simm.s32 $0x1  }
0x2a: {  	_ =	swait.ge [sflag:s7], $0x4000;
	s14 =	simm.s32 @!p0 $0x0  }
0x2b: {  	[sflag:s7] =	ssyncset.done $0x0;
	s14 =	sshll.u32 s14, $0xE  }
0x2c: {  	[sflag:s7] =	ssyncadd.s32 $0xFFFFC000;
	(ifvalue) =	ssetifvalue $0x7FFFFFFF;
	v0 =	vld.msk [tilespmem:s14+$0x0 ss:$0x1], $0xffff;
	_ =	sdelay $0x4  }
0x2d: {  	s15 =	sadd.s32 $0x10, s14;
	vm1 =	vgt.s32 v0, $0x0  }
0x2e: {  	v2 =	vld.msk [tilespmem:s15+$0x0 ss:$0x1], $0xffff;
	v1 =	vnsel vm1, $0x0, v0  }
0x2f: {  	v1 =	vmin.u32 v1, $0xF423F;
	_ =	sdelay $0x1  }
0x30: {  	s16 =	sshll.u32 s12, $0xE;
	s18 =	simm.s32 $0x20  }
0x31: {  	s16 =	sand.u32 $0x4000, s16;
	s17 =	sadd.s32 $0x10, s15;
	s15 =	sor.u32 $0x8000, s14  }
0x32: {  	s14 =	sor.u32 $0x8000, s16;
	s16 =	sadd.s32 $0x10, s15;
	v0 =	vld.msk [tilespmem:s17+$0x0 ss:$0x1], $0xffff;
	vm1 =	vgt.s32 v2, $0x0;
	(ifvalue) =	ssetifvalue $0x7FFFFFFF  }
.LBB2_3:
0x33: {  	[tilespmem:s15], [sflag:$0x1] =	stream.indirect_vreg.gather [hbm4b:s3+s10], $0x1, v1, vm0, $0x4038;
	[tilespmem:$0x10000] =	vst v63  }
0x34: {  	s18 =	sadd.s32 $0x10, s18  }
0x35: {  	v2 =	vnsel vm1, $0x0, v2;
	p1 =	slt.u32 s18, $0x3FF0  }
.Ltmp3:
0x36: {  	s15 =	smov.u32 s16;
	v1 =	vmin.u32 v2, $0xF423F;
	(pc) =	sbr.rel @p1 .LBB2_3-.Ltmp3, $3  }
0x37: {  	_ =	sdelay $0x1  }
0x38: {  	s17 =	sadd.s32 $0x10, s17  }
0x39: {  	vm1 =	vgt.s32 v0, $0x0;
	s16 =	sadd.s32 $0x10, s16;
	v2 =	vmov v0;
	(ifvalue) =	ssetifvalue $0x7FFFFFFF;
	v0 =	vld.msk [tilespmem:s17+$0x0 ss:$0x1], $0xffff  }
.Ltmp4:
0x3a: {  	_ = 	snop;
	(pc) =	sbr.rel .LBB2_4-.Ltmp4, $1  }
0x3b: {  	_ =	sdelay $0x3  }
.LBB2_6:
0x3c: {  	_ =	sfence.sel $0x180000  }
0x3d: {  	s2 =	simm.s32 $0x2;
	[bflag:$0x0] =	sbarrier.arrive $0xFFFF  }
0x3e: {  	s30 =	simm.s32 $0x3;
	[sflag:s2] =	ssyncpa.u1 $0x1  }
0x3f: {  	s31 =	simm.s32 $0x1;
	[sflag:s30] =	ssyncpa.u1 $0x1  }
0x40: {  	[sflag:s31] =	ssyncpa.u1 $0x1  }
0x41: {  	p0 =	sne.s32 s1, $0x0;
	_ =	strace $0x90000050  }
0x42: {  	s0 =	sadd.s32 @!p0 $0x100000, s0;
	[bflag:$0x2] =	sbarrier.arrive $0xFFFF  }
0x43: {  	[sflag:s0] =	ssyncadd.tile.s32 @!p0 $0x1;
	_ =	shalt  }
.Lfunc_end2:
_tile_overlayer_lowered:
.L_overlay_start_2:
0x44: {  	(tag) =	ssettag $0x2  }
0x45: {  	s0 =	rddreg [dreg:$0x0];
	s2 =	stileid.u32  }
0x46: {  	s1 =	rddreg [dreg:$0x1];
	p0 =	sne.s32 s2, $0x0  }
0x47: {  	s3 =	rddreg [dreg:$0x2];
	[bflag:$0x3] =	sbarrier.arrive $0xFFFF;
	s2 =	simm.s32 @!p0 $0x1C01  }
0x48: {  	[timem:s3], [sflag:s2] =	dma.local @!p0 [hbm:s0], s1  }
0x49: {  	s0 =	simm.s32 @!p0 $0x1  }
0x4a: {  	_ =	swait.ge @!p0 [sflag:s0], s1  }
0x4b: {  	s1 =	ssub.s32 @!p0 $0x0, s1;
	[sflag:s0] =	ssyncset.done @!p0 $0x0  }
0x4c: {  	[sflag:s0] =	ssyncadd.s32 @!p0 s1  }
0x4d: {  	[bflag:$0x3] =	sbarrier.arrive $0xFFFF  }
0x4e: {  	_ =	shalt  }

</sc_bundles>
